<compile_context>
chip_gen: v7x
topology: tpu7x:2x2x1
jax: 0.10.2.dev20260603
libtpu: 0.0.44.dev20260713+nightly
codegen_flags: <defaults>
</compile_context>

<pallas_src>
import functools

import jax
import jax.numpy as jnp
from jax import lax
from jax.experimental import pallas as pl
from jax.experimental.pallas import tpu as pltpu
from jax.experimental.pallas import tpu_sc as plsc

_N_EMB = 1024
_DIM = 64
_PAD = 128

_NC = 2
_NS = 16
_NW = _NC * _NS
_CHUNK = 96


def _vq_body_t(zsq_ref, zt_ref, emb_ref, esq_ref, ids_ref):
    m = jnp.dot(emb_ref[...], zt_ref[0], preferred_element_type=jnp.float32)
    d = (zsq_ref[0] + m) + esq_ref[...]
    iota = jax.lax.broadcasted_iota(jnp.int32, d.shape, 0)
    mn = jnp.min(d, axis=0, keepdims=True)
    cand = jnp.where(d == mn, iota, jnp.int32(_N_EMB))
    ids_ref[0] = jnp.min(cand, axis=0, keepdims=True)


def _argmin_ids_t(zt, z_sq3, e_sq2, emb_neg, bsz, seq_len, dim):
    return pl.pallas_call(
        _vq_body_t,
        grid=(bsz,),
        in_specs=[
            pl.BlockSpec((1, 1, seq_len), lambda i: (i, 0, 0)),
            pl.BlockSpec((1, dim, seq_len), lambda i: (i, 0, 0)),
            pl.BlockSpec((_N_EMB, dim), lambda i: (0, 0)),
            pl.BlockSpec((_N_EMB, 1), lambda i: (0, 0)),
        ],
        out_specs=pl.BlockSpec((1, 1, seq_len), lambda i: (i, 0, 0)),
        out_shape=jax.ShapeDtypeStruct((bsz, 1, seq_len), jnp.int32),
    )(z_sq3, zt, emb_neg, e_sq2)


def _make_sc_gather(n, width):
    rows_per_w = n // _NW
    nchunk = rows_per_w // _CHUNK
    mesh = plsc.VectorSubcoreMesh(core_axis_name="c", subcore_axis_name="s")

    @functools.partial(
        pl.kernel,
        mesh=mesh,
        out_type=jax.ShapeDtypeStruct((n, width), jnp.float32),
        scratch_types=[
            pltpu.VMEM((nchunk, _CHUNK), jnp.int32),
            pltpu.VMEM((nchunk, _CHUNK, width), jnp.float32),
            pltpu.SemaphoreType.DMA,
            pltpu.SemaphoreType.DMA,
            pltpu.SemaphoreType.DMA,
        ],
    )
    def gather_k(emb_hbm, ids_hbm, out_hbm, idx_v, rows_v, sem_i, sem_g, sem_s):
        wid = lax.axis_index("s") * _NC + lax.axis_index("c")
        base = wid * rows_per_w
        copies = [
            pltpu.async_copy(
                ids_hbm.at[pl.ds(base + j * _CHUNK, _CHUNK)],
                idx_v.at[j], sem_i)
            for j in range(nchunk)
        ]
        for c in copies:
            c.wait()
        gathers = [
            pltpu.async_copy(emb_hbm.at[idx_v.at[j]], rows_v.at[j], sem_g)
            for j in range(nchunk)
        ]
        for g in gathers:
            g.wait()
        stores = [
            pltpu.async_copy(
                rows_v.at[j],
                out_hbm.at[pl.ds(base + j * _CHUNK, _CHUNK)], sem_s)
            for j in range(nchunk)
        ]
        for s in stores:
            s.wait()

    return gather_k


def kernel(z, embedding):
    bsz, seq_len, dim = z.shape
    n = bsz * seq_len
    zf = z.reshape(n, dim)
    z_sq = jnp.sum(zf * zf, axis=1)
    e_sq = jnp.sum(embedding * embedding, axis=1)
    zt = jnp.transpose(z, (0, 2, 1))
    emb_neg = -2.0 * embedding
    emb_pad = jnp.pad(embedding, ((0, 0), (0, _PAD - dim)))

    ids3 = _argmin_ids_t(zt, z_sq.reshape(bsz, 1, seq_len),
                         e_sq.reshape(_N_EMB, 1), emb_neg,
                         bsz, seq_len, dim)
    ids = ids3.reshape(n)
    q128 = _make_sc_gather(n, _PAD)(emb_pad, ids)

    quantized = q128[:, :dim].reshape(bsz, seq_len, dim)
    token_ids = ids3.reshape(bsz, seq_len)
    return quantized, token_ids

# --- scband reference (transcript-rebuilt; emitter-appended) ---
"""Pipeline reference for scband-vector-quantized-embeddings-26319559590100 (READ-ONLY COPY).

The authoritative reference and input builder live on the scoring server;
editing this copy changes nothing except your own understanding.
"""

import jax, jax.numpy as jnp
import numpy as np

NUM_EMBEDDINGS = 1024
EMBEDDING_DIM = 64

def setup_inputs(seed: int = 0) -> dict:
    key = jax.random.key(seed)
    k1, k2 = jax.random.split(key)
    z = jax.random.normal(k1, (32, 576, EMBEDDING_DIM), dtype=jnp.float32)
    embedding = jax.random.normal(k2, (NUM_EMBEDDINGS, EMBEDDING_DIM), dtype=jnp.float32)
    return {"z": z, "embedding": embedding}

def reference(z, embedding):
    bsz, seq_len, z_embed_dim = z.shape
    z_flat = z.reshape(-1, z_embed_dim)
    # squared euclidean distances: ||z||^2 - 2 z.E^T + ||E||^2  (== torch.cdist(...)**2)
    z_sq = jnp.sum(z_flat * z_flat, axis=1, keepdims=True)
    e_sq = jnp.sum(embedding * embedding, axis=1)[None, :]
    distances = z_sq - 2.0 * (z_flat @ embedding.T) + e_sq
    token_ids_flat = jnp.argmin(distances, axis=1)
    # nearest-neighbor lookup (embedding gather)
    quantized_flat = jnp.take(embedding, token_ids_flat, axis=0)
    # straight-through estimator
    quantized_flat = z_flat + jax.lax.stop_gradient(quantized_flat - z_flat)
    quantized = quantized_flat.reshape(bsz, seq_len, z_embed_dim)
    token_ids = token_ids_flat.reshape(bsz, seq_len)
    return quantized, token_ids

if __name__ == "__main__":
    import jax
    _d = setup_inputs()
    print(jax.jit(kernel)(*tuple(_d.values())))

</pallas_src>

<mosaic_0001>
#map = affine_map<(d0, d1) -> (0, 0)>
#map1 = affine_map<(d0, d1) -> (0)>
module attributes {stable_mosaic.version = 14 : i64} {
  func.func @gather_k(%arg0: i32, %arg1: i32, %arg2: memref<1024x128xf32, #tpu.memory_space<hbm>>, %arg3: memref<18432xi32, #tpu.memory_space<hbm>>, %arg4: memref<18432x128xf32, #tpu.memory_space<hbm>>, %arg5: memref<6x96xi32, #tpu.memory_space<vmem>>, %arg6: memref<6x96x128xf32, #tpu.memory_space<vmem>>, %arg7: memref<!tpu.dma_semaphore, #tpu.memory_space<semaphore_mem>>, %arg8: memref<!tpu.dma_semaphore, #tpu.memory_space<semaphore_mem>>, %arg9: memref<!tpu.dma_semaphore, #tpu.memory_space<semaphore_mem>>) attributes {dimension_semantics = [#tpu.dimension_semantics<core_parallel>, #tpu.dimension_semantics<subcore_parallel>], iteration_bounds = array<i64: 2, 16>, scalar_prefetch = 0 : i64, scratch_operands = 5 : i64, tpu.core_type = #tpu.core_type<sc_vector_subcore>, window_params = [{transform_indices = #map}, {transform_indices = #map1}, {transform_indices = #map}]} {
    %mul3A = arith.constant 2 : i32
    %mul3A_0 = arith.muli %arg1, %mul3A : i32
    %add3A = arith.addi %mul3A_0, %arg0 : i32
    %mul3A_1 = arith.constant 576 : i32
    %mul3A_2 = arith.muli %add3A, %mul3A_1 : i32
    %add3A_3 = arith.constant 0 : i32
    %add3A_4 = arith.addi %mul3A_2, %add3A_3 : i32
    %dma_start3A = arith.constant 0 : i32
    %dma_start3A_5 = arith.constant 0 : i32
    %dma_start3A_6 = tpu.memref_slice %arg5[%dma_start3A, %dma_start3A_5] : memref<6x96xi32, #tpu.memory_space<vmem>> -> memref<1x96xi32, #tpu.memory_space<vmem>>
    %dma_start3A_7 = tpu.memref_squeeze %dma_start3A_6 : memref<1x96xi32, #tpu.memory_space<vmem>> -> memref<96xi32, #tpu.memory_space<vmem>>
    %dma_start3A_8 = tpu.memref_slice %arg3[%add3A_4] : memref<18432xi32, #tpu.memory_space<hbm>> -> memref<96xi32, #tpu.memory_space<hbm>>
    %dma_start3A_9 = arith.constant 0 : i32
    %dma_start3A_10 = tpu.memref_slice %arg5[%dma_start3A, %dma_start3A_9] : memref<6x96xi32, #tpu.memory_space<vmem>> -> memref<1x96xi32, #tpu.memory_space<vmem>>
    %dma_start3A_11 = tpu.memref_squeeze %dma_start3A_10 : memref<1x96xi32, #tpu.memory_space<vmem>> -> memref<96xi32, #tpu.memory_space<vmem>>
    %dma_start3A_12 = tpu.memref_slice %arg3[%add3A_4] : memref<18432xi32, #tpu.memory_space<hbm>> -> memref<96xi32, #tpu.memory_space<hbm>>
    tpu.enqueue_dma source(%dma_start3A_12 : memref<96xi32, #tpu.memory_space<hbm>>) target(%dma_start3A_11 : memref<96xi32, #tpu.memory_space<vmem>>) target_semaphore(%arg7 : memref<!tpu.dma_semaphore, #tpu.memory_space<semaphore_mem>>)
    %add3A_13 = arith.constant 96 : i32
    %add3A_14 = arith.addi %mul3A_2, %add3A_13 : i32
    %dma_start3A_15 = arith.constant 1 : i32
    %dma_start3A_16 = arith.constant 0 : i32
    %dma_start3A_17 = tpu.memref_slice %arg5[%dma_start3A_15, %dma_start3A_16] : memref<6x96xi32, #tpu.memory_space<vmem>> -> memref<1x96xi32, #tpu.memory_space<vmem>>
    %dma_start3A_18 = tpu.memref_squeeze %dma_start3A_17 : memref<1x96xi32, #tpu.memory_space<vmem>> -> memref<96xi32, #tpu.memory_space<vmem>>
    %dma_start3A_19 = tpu.memref_slice %arg3[%add3A_14] : memref<18432xi32, #tpu.memory_space<hbm>> -> memref<96xi32, #tpu.memory_space<hbm>>
    %dma_start3A_20 = arith.constant 0 : i32
    %dma_start3A_21 = tpu.memref_slice %arg5[%dma_start3A_15, %dma_start3A_20] : memref<6x96xi32, #tpu.memory_space<vmem>> -> memref<1x96xi32, #tpu.memory_space<vmem>>
    %dma_start3A_22 = tpu.memref_squeeze %dma_start3A_21 : memref<1x96xi32, #tpu.memory_space<vmem>> -> memref<96xi32, #tpu.memory_space<vmem>>
    %dma_start3A_23 = tpu.memref_slice %arg3[%add3A_14] : memref<18432xi32, #tpu.memory_space<hbm>> -> memref<96xi32, #tpu.memory_space<hbm>>
    tpu.enqueue_dma source(%dma_start3A_23 : memref<96xi32, #tpu.memory_space<hbm>>) target(%dma_start3A_22 : memref<96xi32, #tpu.memory_space<vmem>>) target_semaphore(%arg7 : memref<!tpu.dma_semaphore, #tpu.memory_space<semaphore_mem>>)
    %add3A_24 = arith.constant 192 : i32
    %add3A_25 = arith.addi %mul3A_2, %add3A_24 : i32
    %dma_start3A_26 = arith.constant 2 : i32
    %dma_start3A_27 = arith.constant 0 : i32
    %dma_start3A_28 = tpu.memref_slice %arg5[%dma_start3A_26, %dma_start3A_27] : memref<6x96xi32, #tpu.memory_space<vmem>> -> memref<1x96xi32, #tpu.memory_space<vmem>>
    %dma_start3A_29 = tpu.memref_squeeze %dma_start3A_28 : memref<1x96xi32, #tpu.memory_space<vmem>> -> memref<96xi32, #tpu.memory_space<vmem>>
    %dma_start3A_30 = tpu.memref_slice %arg3[%add3A_25] : memref<18432xi32, #tpu.memory_space<hbm>> -> memref<96xi32, #tpu.memory_space<hbm>>
    %dma_start3A_31 = arith.constant 0 : i32
    %dma_start3A_32 = tpu.memref_slice %arg5[%dma_start3A_26, %dma_start3A_31] : memref<6x96xi32, #tpu.memory_space<vmem>> -> memref<1x96xi32, #tpu.memory_space<vmem>>
    %dma_start3A_33 = tpu.memref_squeeze %dma_start3A_32 : memref<1x96xi32, #tpu.memory_space<vmem>> -> memref<96xi32, #tpu.memory_space<vmem>>
    %dma_start3A_34 = tpu.memref_slice %arg3[%add3A_25] : memref<18432xi32, #tpu.memory_space<hbm>> -> memref<96xi32, #tpu.memory_space<hbm>>
    tpu.enqueue_dma source(%dma_start3A_34 : memref<96xi32, #tpu.memory_space<hbm>>) target(%dma_start3A_33 : memref<96xi32, #tpu.memory_space<vmem>>) target_semaphore(%arg7 : memref<!tpu.dma_semaphore, #tpu.memory_space<semaphore_mem>>)
    %add3A_35 = arith.constant 288 : i32
    %add3A_36 = arith.addi %mul3A_2, %add3A_35 : i32
    %dma_start3A_37 = arith.constant 3 : i32
    %dma_start3A_38 = arith.constant 0 : i32
    %dma_start3A_39 = tpu.memref_slice %arg5[%dma_start3A_37, %dma_start3A_38] : memref<6x96xi32, #tpu.memory_space<vmem>> -> memref<1x96xi32, #tpu.memory_space<vmem>>
    %dma_start3A_40 = tpu.memref_squeeze %dma_start3A_39 : memref<1x96xi32, #tpu.memory_space<vmem>> -> memref<96xi32, #tpu.memory_space<vmem>>
    %dma_start3A_41 = tpu.memref_slice %arg3[%add3A_36] : memref<18432xi32, #tpu.memory_space<hbm>> -> memref<96xi32, #tpu.memory_space<hbm>>
    %dma_start3A_42 = arith.constant 0 : i32
    %dma_start3A_43 = tpu.memref_slice %arg5[%dma_start3A_37, %dma_start3A_42] : memref<6x96xi32, #tpu.memory_space<vmem>> -> memref<1x96xi32, #tpu.memory_space<vmem>>
    %dma_start3A_44 = tpu.memref_squeeze %dma_start3A_43 : memref<1x96xi32, #tpu.memory_space<vmem>> -> memref<96xi32, #tpu.memory_space<vmem>>
    %dma_start3A_45 = tpu.memref_slice %arg3[%add3A_36] : memref<18432xi32, #tpu.memory_space<hbm>> -> memref<96xi32, #tpu.memory_space<hbm>>
    tpu.enqueue_dma source(%dma_start3A_45 : memref<96xi32, #tpu.memory_space<hbm>>) target(%dma_start3A_44 : memref<96xi32, #tpu.memory_space<vmem>>) target_semaphore(%arg7 : memref<!tpu.dma_semaphore, #tpu.memory_space<semaphore_mem>>)
    %add3A_46 = arith.constant 384 : i32
    %add3A_47 = arith.addi %mul3A_2, %add3A_46 : i32
    %dma_start3A_48 = arith.constant 4 : i32
    %dma_start3A_49 = arith.constant 0 : i32
    %dma_start3A_50 = tpu.memref_slice %arg5[%dma_start3A_48, %dma_start3A_49] : memref<6x96xi32, #tpu.memory_space<vmem>> -> memref<1x96xi32, #tpu.memory_space<vmem>>
    %dma_start3A_51 = tpu.memref_squeeze %dma_start3A_50 : memref<1x96xi32, #tpu.memory_space<vmem>> -> memref<96xi32, #tpu.memory_space<vmem>>
    %dma_start3A_52 = tpu.memref_slice %arg3[%add3A_47] : memref<18432xi32, #tpu.memory_space<hbm>> -> memref<96xi32, #tpu.memory_space<hbm>>
    %dma_start3A_53 = arith.constant 0 : i32
    %dma_start3A_54 = tpu.memref_slice %arg5[%dma_start3A_48, %dma_start3A_53] : memref<6x96xi32, #tpu.memory_space<vmem>> -> memref<1x96xi32, #tpu.memory_space<vmem>>
    %dma_start3A_55 = tpu.memref_squeeze %dma_start3A_54 : memref<1x96xi32, #tpu.memory_space<vmem>> -> memref<96xi32, #tpu.memory_space<vmem>>
    %dma_start3A_56 = tpu.memref_slice %arg3[%add3A_47] : memref<18432xi32, #tpu.memory_space<hbm>> -> memref<96xi32, #tpu.memory_space<hbm>>
    tpu.enqueue_dma source(%dma_start3A_56 : memref<96xi32, #tpu.memory_space<hbm>>) target(%dma_start3A_55 : memref<96xi32, #tpu.memory_space<vmem>>) target_semaphore(%arg7 : memref<!tpu.dma_semaphore, #tpu.memory_space<semaphore_mem>>)
    %add3A_57 = arith.constant 480 : i32
    %add3A_58 = arith.addi %mul3A_2, %add3A_57 : i32
    %dma_start3A_59 = arith.constant 5 : i32
    %dma_start3A_60 = arith.constant 0 : i32
    %dma_start3A_61 = tpu.memref_slice %arg5[%dma_start3A_59, %dma_start3A_60] : memref<6x96xi32, #tpu.memory_space<vmem>> -> memref<1x96xi32, #tpu.memory_space<vmem>>
    %dma_start3A_62 = tpu.memref_squeeze %dma_start3A_61 : memref<1x96xi32, #tpu.memory_space<vmem>> -> memref<96xi32, #tpu.memory_space<vmem>>
    %dma_start3A_63 = tpu.memref_slice %arg3[%add3A_58] : memref<18432xi32, #tpu.memory_space<hbm>> -> memref<96xi32, #tpu.memory_space<hbm>>
    %dma_start3A_64 = arith.constant 0 : i32
    %dma_start3A_65 = tpu.memref_slice %arg5[%dma_start3A_59, %dma_start3A_64] : memref<6x96xi32, #tpu.memory_space<vmem>> -> memref<1x96xi32, #tpu.memory_space<vmem>>
    %dma_start3A_66 = tpu.memref_squeeze %dma_start3A_65 : memref<1x96xi32, #tpu.memory_space<vmem>> -> memref<96xi32, #tpu.memory_space<vmem>>
    %dma_start3A_67 = tpu.memref_slice %arg3[%add3A_58] : memref<18432xi32, #tpu.memory_space<hbm>> -> memref<96xi32, #tpu.memory_space<hbm>>
    tpu.enqueue_dma source(%dma_start3A_67 : memref<96xi32, #tpu.memory_space<hbm>>) target(%dma_start3A_66 : memref<96xi32, #tpu.memory_space<vmem>>) target_semaphore(%arg7 : memref<!tpu.dma_semaphore, #tpu.memory_space<semaphore_mem>>)
    %dma_wait3A = arith.constant 0 : i32
    %dma_wait3A_68 = arith.constant 0 : i32
    %dma_wait3A_69 = tpu.memref_slice %arg5[%dma_wait3A, %dma_wait3A_68] : memref<6x96xi32, #tpu.memory_space<vmem>> -> memref<1x96xi32, #tpu.memory_space<vmem>>
    %dma_wait3A_70 = tpu.memref_squeeze %dma_wait3A_69 : memref<1x96xi32, #tpu.memory_space<vmem>> -> memref<96xi32, #tpu.memory_space<vmem>>
    %dma_wait3A_71 = tpu.memref_slice %arg3[%add3A_4] : memref<18432xi32, #tpu.memory_space<hbm>> -> memref<96xi32, #tpu.memory_space<hbm>>
    %dma_wait3A_72 = arith.constant 0 : i32
    %dma_wait3A_73 = tpu.memref_slice %arg5[%dma_wait3A, %dma_wait3A_72] : memref<6x96xi32, #tpu.memory_space<vmem>> -> memref<1x96xi32, #tpu.memory_space<vmem>>
    %dma_wait3A_74 = tpu.memref_squeeze %dma_wait3A_73 : memref<1x96xi32, #tpu.memory_space<vmem>> -> memref<96xi32, #tpu.memory_space<vmem>>
    %dma_wait3A_75 = tpu.memref_slice %arg3[%add3A_4] : memref<18432xi32, #tpu.memory_space<hbm>> -> memref<96xi32, #tpu.memory_space<hbm>>
    tpu.wait_dma2 semaphore(%arg7 : memref<!tpu.dma_semaphore, #tpu.memory_space<semaphore_mem>>) src(%dma_wait3A_75 : memref<96xi32, #tpu.memory_space<hbm>>) dst(%dma_wait3A_74 : memref<96xi32, #tpu.memory_space<vmem>>)
    %dma_wait3A_76 = arith.constant 1 : i32
    %dma_wait3A_77 = arith.constant 0 : i32
    %dma_wait3A_78 = tpu.memref_slice %arg5[%dma_wait3A_76, %dma_wait3A_77] : memref<6x96xi32, #tpu.memory_space<vmem>> -> memref<1x96xi32, #tpu.memory_space<vmem>>
    %dma_wait3A_79 = tpu.memref_squeeze %dma_wait3A_78 : memref<1x96xi32, #tpu.memory_space<vmem>> -> memref<96xi32, #tpu.memory_space<vmem>>
    %dma_wait3A_80 = tpu.memref_slice %arg3[%add3A_14] : memref<18432xi32, #tpu.memory_space<hbm>> -> memref<96xi32, #tpu.memory_space<hbm>>
    %dma_wait3A_81 = arith.constant 0 : i32
    %dma_wait3A_82 = tpu.memref_slice %arg5[%dma_wait3A_76, %dma_wait3A_81] : memref<6x96xi32, #tpu.memory_space<vmem>> -> memref<1x96xi32, #tpu.memory_space<vmem>>
    %dma_wait3A_83 = tpu.memref_squeeze %dma_wait3A_82 : memref<1x96xi32, #tpu.memory_space<vmem>> -> memref<96xi32, #tpu.memory_space<vmem>>
    %dma_wait3A_84 = tpu.memref_slice %arg3[%add3A_14] : memref<18432xi32, #tpu.memory_space<hbm>> -> memref<96xi32, #tpu.memory_space<hbm>>
    tpu.wait_dma2 semaphore(%arg7 : memref<!tpu.dma_semaphore, #tpu.memory_space<semaphore_mem>>) src(%dma_wait3A_84 : memref<96xi32, #tpu.memory_space<hbm>>) dst(%dma_wait3A_83 : memref<96xi32, #tpu.memory_space<vmem>>)
    %dma_wait3A_85 = arith.constant 2 : i32
    %dma_wait3A_86 = arith.constant 0 : i32
    %dma_wait3A_87 = tpu.memref_slice %arg5[%dma_wait3A_85, %dma_wait3A_86] : memref<6x96xi32, #tpu.memory_space<vmem>> -> memref<1x96xi32, #tpu.memory_space<vmem>>
    %dma_wait3A_88 = tpu.memref_squeeze %dma_wait3A_87 : memref<1x96xi32, #tpu.memory_space<vmem>> -> memref<96xi32, #tpu.memory_space<vmem>>
    %dma_wait3A_89 = tpu.memref_slice %arg3[%add3A_25] : memref<18432xi32, #tpu.memory_space<hbm>> -> memref<96xi32, #tpu.memory_space<hbm>>
    %dma_wait3A_90 = arith.constant 0 : i32
    %dma_wait3A_91 = tpu.memref_slice %arg5[%dma_wait3A_85, %dma_wait3A_90] : memref<6x96xi32, #tpu.memory_space<vmem>> -> memref<1x96xi32, #tpu.memory_space<vmem>>
    %dma_wait3A_92 = tpu.memref_squeeze %dma_wait3A_91 : memref<1x96xi32, #tpu.memory_space<vmem>> -> memref<96xi32, #tpu.memory_space<vmem>>
    %dma_wait3A_93 = tpu.memref_slice %arg3[%add3A_25] : memref<18432xi32, #tpu.memory_space<hbm>> -> memref<96xi32, #tpu.memory_space<hbm>>
    tpu.wait_dma2 semaphore(%arg7 : memref<!tpu.dma_semaphore, #tpu.memory_space<semaphore_mem>>) src(%dma_wait3A_93 : memref<96xi32, #tpu.memory_space<hbm>>) dst(%dma_wait3A_92 : memref<96xi32, #tpu.memory_space<vmem>>)
    %dma_wait3A_94 = arith.constant 3 : i32
    %dma_wait3A_95 = arith.constant 0 : i32
    %dma_wait3A_96 = tpu.memref_slice %arg5[%dma_wait3A_94, %dma_wait3A_95] : memref<6x96xi32, #tpu.memory_space<vmem>> -> memref<1x96xi32, #tpu.memory_space<vmem>>
    %dma_wait3A_97 = tpu.memref_squeeze %dma_wait3A_96 : memref<1x96xi32, #tpu.memory_space<vmem>> -> memref<96xi32, #tpu.memory_space<vmem>>
    %dma_wait3A_98 = tpu.memref_slice %arg3[%add3A_36] : memref<18432xi32, #tpu.memory_space<hbm>> -> memref<96xi32, #tpu.memory_space<hbm>>
    %dma_wait3A_99 = arith.constant 0 : i32
    %dma_wait3A_100 = tpu.memref_slice %arg5[%dma_wait3A_94, %dma_wait3A_99] : memref<6x96xi32, #tpu.memory_space<vmem>> -> memref<1x96xi32, #tpu.memory_space<vmem>>
    %dma_wait3A_101 = tpu.memref_squeeze %dma_wait3A_100 : memref<1x96xi32, #tpu.memory_space<vmem>> -> memref<96xi32, #tpu.memory_space<vmem>>
    %dma_wait3A_102 = tpu.memref_slice %arg3[%add3A_36] : memref<18432xi32, #tpu.memory_space<hbm>> -> memref<96xi32, #tpu.memory_space<hbm>>
    tpu.wait_dma2 semaphore(%arg7 : memref<!tpu.dma_semaphore, #tpu.memory_space<semaphore_mem>>) src(%dma_wait3A_102 : memref<96xi32, #tpu.memory_space<hbm>>) dst(%dma_wait3A_101 : memref<96xi32, #tpu.memory_space<vmem>>)
    %dma_wait3A_103 = arith.constant 4 : i32
    %dma_wait3A_104 = arith.constant 0 : i32
    %dma_wait3A_105 = tpu.memref_slice %arg5[%dma_wait3A_103, %dma_wait3A_104] : memref<6x96xi32, #tpu.memory_space<vmem>> -> memref<1x96xi32, #tpu.memory_space<vmem>>
    %dma_wait3A_106 = tpu.memref_squeeze %dma_wait3A_105 : memref<1x96xi32, #tpu.memory_space<vmem>> -> memref<96xi32, #tpu.memory_space<vmem>>
    %dma_wait3A_107 = tpu.memref_slice %arg3[%add3A_47] : memref<18432xi32, #tpu.memory_space<hbm>> -> memref<96xi32, #tpu.memory_space<hbm>>
    %dma_wait3A_108 = arith.constant 0 : i32
    %dma_wait3A_109 = tpu.memref_slice %arg5[%dma_wait3A_103, %dma_wait3A_108] : memref<6x96xi32, #tpu.memory_space<vmem>> -> memref<1x96xi32, #tpu.memory_space<vmem>>
    %dma_wait3A_110 = tpu.memref_squeeze %dma_wait3A_109 : memref<1x96xi32, #tpu.memory_space<vmem>> -> memref<96xi32, #tpu.memory_space<vmem>>
    %dma_wait3A_111 = tpu.memref_slice %arg3[%add3A_47] : memref<18432xi32, #tpu.memory_space<hbm>> -> memref<96xi32, #tpu.memory_space<hbm>>
    tpu.wait_dma2 semaphore(%arg7 : memref<!tpu.dma_semaphore, #tpu.memory_space<semaphore_mem>>) src(%dma_wait3A_111 : memref<96xi32, #tpu.memory_space<hbm>>) dst(%dma_wait3A_110 : memref<96xi32, #tpu.memory_space<vmem>>)
    %dma_wait3A_112 = arith.constant 5 : i32
    %dma_wait3A_113 = arith.constant 0 : i32
    %dma_wait3A_114 = tpu.memref_slice %arg5[%dma_wait3A_112, %dma_wait3A_113] : memref<6x96xi32, #tpu.memory_space<vmem>> -> memref<1x96xi32, #tpu.memory_space<vmem>>
    %dma_wait3A_115 = tpu.memref_squeeze %dma_wait3A_114 : memref<1x96xi32, #tpu.memory_space<vmem>> -> memref<96xi32, #tpu.memory_space<vmem>>
    %dma_wait3A_116 = tpu.memref_slice %arg3[%add3A_58] : memref<18432xi32, #tpu.memory_space<hbm>> -> memref<96xi32, #tpu.memory_space<hbm>>
    %dma_wait3A_117 = arith.constant 0 : i32
    %dma_wait3A_118 = tpu.memref_slice %arg5[%dma_wait3A_112, %dma_wait3A_117] : memref<6x96xi32, #tpu.memory_space<vmem>> -> memref<1x96xi32, #tpu.memory_space<vmem>>
    %dma_wait3A_119 = tpu.memref_squeeze %dma_wait3A_118 : memref<1x96xi32, #tpu.memory_space<vmem>> -> memref<96xi32, #tpu.memory_space<vmem>>
    %dma_wait3A_120 = tpu.memref_slice %arg3[%add3A_58] : memref<18432xi32, #tpu.memory_space<hbm>> -> memref<96xi32, #tpu.memory_space<hbm>>
    tpu.wait_dma2 semaphore(%arg7 : memref<!tpu.dma_semaphore, #tpu.memory_space<semaphore_mem>>) src(%dma_wait3A_120 : memref<96xi32, #tpu.memory_space<hbm>>) dst(%dma_wait3A_119 : memref<96xi32, #tpu.memory_space<vmem>>)
    %dma_start3A_121 = arith.constant 0 : i32
    %dma_start3A_122 = arith.constant 0 : i32
    %dma_start3A_123 = arith.constant 0 : i32
    %dma_start3A_124 = arith.constant 0 : i32
    %dma_start3A_125 = tpu.memref_slice %arg6[%dma_start3A_122, %dma_start3A_123, %dma_start3A_124] : memref<6x96x128xf32, #tpu.memory_space<vmem>> -> memref<1x96x128xf32, #tpu.memory_space<vmem>>
    %dma_start3A_126 = tpu.memref_squeeze %dma_start3A_125 : memref<1x96x128xf32, #tpu.memory_space<vmem>> -> memref<96x128xf32, #tpu.memory_space<vmem>>
    %dma_start3A_127 = arith.constant 0 : i32
    %dma_start3A_128 = tpu.memref_slice %arg5[%dma_start3A_121, %dma_start3A_127] : memref<6x96xi32, #tpu.memory_space<vmem>> -> memref<1x96xi32, #tpu.memory_space<vmem>>
    %dma_start3A_129 = tpu.memref_squeeze %dma_start3A_128 : memref<1x96xi32, #tpu.memory_space<vmem>> -> memref<96xi32, #tpu.memory_space<vmem>>
    %dma_start3A_130 = arith.constant 0 : i32
    %dma_start3A_131 = arith.constant 0 : i32
    %dma_start3A_132 = tpu.memref_slice %arg2[%dma_start3A_130, %dma_start3A_131] : memref<1024x128xf32, #tpu.memory_space<hbm>> -> memref<1024x128xf32, #tpu.memory_space<hbm>>
    tpu.enqueue_indirect_dma source(%dma_start3A_132 : memref<1024x128xf32, #tpu.memory_space<hbm>>) target(%dma_start3A_126 : memref<96x128xf32, #tpu.memory_space<vmem>>) offsets(%dma_start3A_129 : memref<96xi32, #tpu.memory_space<vmem>>) semaphore(%arg8 : memref<!tpu.dma_semaphore, #tpu.memory_space<semaphore_mem>>)
    %dma_start3A_133 = arith.constant 1 : i32
    %dma_start3A_134 = arith.constant 1 : i32
    %dma_start3A_135 = arith.constant 0 : i32
    %dma_start3A_136 = arith.constant 0 : i32
    %dma_start3A_137 = tpu.memref_slice %arg6[%dma_start3A_134, %dma_start3A_135, %dma_start3A_136] : memref<6x96x128xf32, #tpu.memory_space<vmem>> -> memref<1x96x128xf32, #tpu.memory_space<vmem>>
    %dma_start3A_138 = tpu.memref_squeeze %dma_start3A_137 : memref<1x96x128xf32, #tpu.memory_space<vmem>> -> memref<96x128xf32, #tpu.memory_space<vmem>>
    %dma_start3A_139 = arith.constant 0 : i32
    %dma_start3A_140 = tpu.memref_slice %arg5[%dma_start3A_133, %dma_start3A_139] : memref<6x96xi32, #tpu.memory_space<vmem>> -> memref<1x96xi32, #tpu.memory_space<vmem>>
    %dma_start3A_141 = tpu.memref_squeeze %dma_start3A_140 : memref<1x96xi32, #tpu.memory_space<vmem>> -> memref<96xi32, #tpu.memory_space<vmem>>
    %dma_start3A_142 = arith.constant 0 : i32
    %dma_start3A_143 = arith.constant 0 : i32
    %dma_start3A_144 = tpu.memref_slice %arg2[%dma_start3A_142, %dma_start3A_143] : memref<1024x128xf32, #tpu.memory_space<hbm>> -> memref<1024x128xf32, #tpu.memory_space<hbm>>
    tpu.enqueue_indirect_dma source(%dma_start3A_144 : memref<1024x128xf32, #tpu.memory_space<hbm>>) target(%dma_start3A_138 : memref<96x128xf32, #tpu.memory_space<vmem>>) offsets(%dma_start3A_141 : memref<96xi32, #tpu.memory_space<vmem>>) semaphore(%arg8 : memref<!tpu.dma_semaphore, #tpu.memory_space<semaphore_mem>>)
    %dma_start3A_145 = arith.constant 2 : i32
    %dma_start3A_146 = arith.constant 2 : i32
    %dma_start3A_147 = arith.constant 0 : i32
    %dma_start3A_148 = arith.constant 0 : i32
    %dma_start3A_149 = tpu.memref_slice %arg6[%dma_start3A_146, %dma_start3A_147, %dma_start3A_148] : memref<6x96x128xf32, #tpu.memory_space<vmem>> -> memref<1x96x128xf32, #tpu.memory_space<vmem>>
    %dma_start3A_150 = tpu.memref_squeeze %dma_start3A_149 : memref<1x96x128xf32, #tpu.memory_space<vmem>> -> memref<96x128xf32, #tpu.memory_space<vmem>>
    %dma_start3A_151 = arith.constant 0 : i32
    %dma_start3A_152 = tpu.memref_slice %arg5[%dma_start3A_145, %dma_start3A_151] : memref<6x96xi32, #tpu.memory_space<vmem>> -> memref<1x96xi32, #tpu.memory_space<vmem>>
    %dma_start3A_153 = tpu.memref_squeeze %dma_start3A_152 : memref<1x96xi32, #tpu.memory_space<vmem>> -> memref<96xi32, #tpu.memory_space<vmem>>
    %dma_start3A_154 = arith.constant 0 : i32
    %dma_start3A_155 = arith.constant 0 : i32
    %dma_start3A_156 = tpu.memref_slice %arg2[%dma_start3A_154, %dma_start3A_155] : memref<1024x128xf32, #tpu.memory_space<hbm>> -> memref<1024x128xf32, #tpu.memory_space<hbm>>
    tpu.enqueue_indirect_dma source(%dma_start3A_156 : memref<1024x128xf32, #tpu.memory_space<hbm>>) target(%dma_start3A_150 : memref<96x128xf32, #tpu.memory_space<vmem>>) offsets(%dma_start3A_153 : memref<96xi32, #tpu.memory_space<vmem>>) semaphore(%arg8 : memref<!tpu.dma_semaphore, #tpu.memory_space<semaphore_mem>>)
    %dma_start3A_157 = arith.constant 3 : i32
    %dma_start3A_158 = arith.constant 3 : i32
    %dma_start3A_159 = arith.constant 0 : i32
    %dma_start3A_160 = arith.constant 0 : i32
    %dma_start3A_161 = tpu.memref_slice %arg6[%dma_start3A_158, %dma_start3A_159, %dma_start3A_160] : memref<6x96x128xf32, #tpu.memory_space<vmem>> -> memref<1x96x128xf32, #tpu.memory_space<vmem>>
    %dma_start3A_162 = tpu.memref_squeeze %dma_start3A_161 : memref<1x96x128xf32, #tpu.memory_space<vmem>> -> memref<96x128xf32, #tpu.memory_space<vmem>>
    %dma_start3A_163 = arith.constant 0 : i32
    %dma_start3A_164 = tpu.memref_slice %arg5[%dma_start3A_157, %dma_start3A_163] : memref<6x96xi32, #tpu.memory_space<vmem>> -> memref<1x96xi32, #tpu.memory_space<vmem>>
    %dma_start3A_165 = tpu.memref_squeeze %dma_start3A_164 : memref<1x96xi32, #tpu.memory_space<vmem>> -> memref<96xi32, #tpu.memory_space<vmem>>
    %dma_start3A_166 = arith.constant 0 : i32
    %dma_start3A_167 = arith.constant 0 : i32
    %dma_start3A_168 = tpu.memref_slice %arg2[%dma_start3A_166, %dma_start3A_167] : memref<1024x128xf32, #tpu.memory_space<hbm>> -> memref<1024x128xf32, #tpu.memory_space<hbm>>
    tpu.enqueue_indirect_dma source(%dma_start3A_168 : memref<1024x128xf32, #tpu.memory_space<hbm>>) target(%dma_start3A_162 : memref<96x128xf32, #tpu.memory_space<vmem>>) offsets(%dma_start3A_165 : memref<96xi32, #tpu.memory_space<vmem>>) semaphore(%arg8 : memref<!tpu.dma_semaphore, #tpu.memory_space<semaphore_mem>>)
    %dma_start3A_169 = arith.constant 4 : i32
    %dma_start3A_170 = arith.constant 4 : i32
    %dma_start3A_171 = arith.constant 0 : i32
    %dma_start3A_172 = arith.constant 0 : i32
    %dma_start3A_173 = tpu.memref_slice %arg6[%dma_start3A_170, %dma_start3A_171, %dma_start3A_172] : memref<6x96x128xf32, #tpu.memory_space<vmem>> -> memref<1x96x128xf32, #tpu.memory_space<vmem>>
    %dma_start3A_174 = tpu.memref_squeeze %dma_start3A_173 : memref<1x96x128xf32, #tpu.memory_space<vmem>> -> memref<96x128xf32, #tpu.memory_space<vmem>>
    %dma_start3A_175 = arith.constant 0 : i32
    %dma_start3A_176 = tpu.memref_slice %arg5[%dma_start3A_169, %dma_start3A_175] : memref<6x96xi32, #tpu.memory_space<vmem>> -> memref<1x96xi32, #tpu.memory_space<vmem>>
    %dma_start3A_177 = tpu.memref_squeeze %dma_start3A_176 : memref<1x96xi32, #tpu.memory_space<vmem>> -> memref<96xi32, #tpu.memory_space<vmem>>
    %dma_start3A_178 = arith.constant 0 : i32
    %dma_start3A_179 = arith.constant 0 : i32
    %dma_start3A_180 = tpu.memref_slice %arg2[%dma_start3A_178, %dma_start3A_179] : memref<1024x128xf32, #tpu.memory_space<hbm>> -> memref<1024x128xf32, #tpu.memory_space<hbm>>
    tpu.enqueue_indirect_dma source(%dma_start3A_180 : memref<1024x128xf32, #tpu.memory_space<hbm>>) target(%dma_start3A_174 : memref<96x128xf32, #tpu.memory_space<vmem>>) offsets(%dma_start3A_177 : memref<96xi32, #tpu.memory_space<vmem>>) semaphore(%arg8 : memref<!tpu.dma_semaphore, #tpu.memory_space<semaphore_mem>>)
    %dma_start3A_181 = arith.constant 5 : i32
    %dma_start3A_182 = arith.constant 5 : i32
    %dma_start3A_183 = arith.constant 0 : i32
    %dma_start3A_184 = arith.constant 0 : i32
    %dma_start3A_185 = tpu.memref_slice %arg6[%dma_start3A_182, %dma_start3A_183, %dma_start3A_184] : memref<6x96x128xf32, #tpu.memory_space<vmem>> -> memref<1x96x128xf32, #tpu.memory_space<vmem>>
    %dma_start3A_186 = tpu.memref_squeeze %dma_start3A_185 : memref<1x96x128xf32, #tpu.memory_space<vmem>> -> memref<96x128xf32, #tpu.memory_space<vmem>>
    %dma_start3A_187 = arith.constant 0 : i32
    %dma_start3A_188 = tpu.memref_slice %arg5[%dma_start3A_181, %dma_start3A_187] : memref<6x96xi32, #tpu.memory_space<vmem>> -> memref<1x96xi32, #tpu.memory_space<vmem>>
    %dma_start3A_189 = tpu.memref_squeeze %dma_start3A_188 : memref<1x96xi32, #tpu.memory_space<vmem>> -> memref<96xi32, #tpu.memory_space<vmem>>
    %dma_start3A_190 = arith.constant 0 : i32
    %dma_start3A_191 = arith.constant 0 : i32
    %dma_start3A_192 = tpu.memref_slice %arg2[%dma_start3A_190, %dma_start3A_191] : memref<1024x128xf32, #tpu.memory_space<hbm>> -> memref<1024x128xf32, #tpu.memory_space<hbm>>
    tpu.enqueue_indirect_dma source(%dma_start3A_192 : memref<1024x128xf32, #tpu.memory_space<hbm>>) target(%dma_start3A_186 : memref<96x128xf32, #tpu.memory_space<vmem>>) offsets(%dma_start3A_189 : memref<96xi32, #tpu.memory_space<vmem>>) semaphore(%arg8 : memref<!tpu.dma_semaphore, #tpu.memory_space<semaphore_mem>>)
    %dma_wait3A_193 = arith.constant 0 : i32
    %dma_wait3A_194 = arith.constant 0 : i32
    %dma_wait3A_195 = arith.constant 0 : i32
    %dma_wait3A_196 = arith.constant 0 : i32
    %dma_wait3A_197 = tpu.memref_slice %arg6[%dma_wait3A_194, %dma_wait3A_195, %dma_wait3A_196] : memref<6x96x128xf32, #tpu.memory_space<vmem>> -> memref<1x96x128xf32, #tpu.memory_space<vmem>>
    %dma_wait3A_198 = tpu.memref_squeeze %dma_wait3A_197 : memref<1x96x128xf32, #tpu.memory_space<vmem>> -> memref<96x128xf32, #tpu.memory_space<vmem>>
    %dma_wait3A_199 = arith.constant 0 : i32
    %dma_wait3A_200 = tpu.memref_slice %arg5[%dma_wait3A_193, %dma_wait3A_199] : memref<6x96xi32, #tpu.memory_space<vmem>> -> memref<1x96xi32, #tpu.memory_space<vmem>>
    %dma_wait3A_201 = tpu.memref_squeeze %dma_wait3A_200 : memref<1x96xi32, #tpu.memory_space<vmem>> -> memref<96xi32, #tpu.memory_space<vmem>>
    %dma_wait3A_202 = arith.constant 0 : i32
    %dma_wait3A_203 = arith.constant 0 : i32
    %dma_wait3A_204 = tpu.memref_slice %arg2[%dma_wait3A_202, %dma_wait3A_203] : memref<1024x128xf32, #tpu.memory_space<hbm>> -> memref<1024x128xf32, #tpu.memory_space<hbm>>
    tpu.wait_indirect_dma semaphore(%arg8 : memref<!tpu.dma_semaphore, #tpu.memory_space<semaphore_mem>>) src(%dma_wait3A_204 : memref<1024x128xf32, #tpu.memory_space<hbm>>) dst(%dma_wait3A_198 : memref<96x128xf32, #tpu.memory_space<vmem>>)
    %dma_wait3A_205 = arith.constant 1 : i32
    %dma_wait3A_206 = arith.constant 1 : i32
    %dma_wait3A_207 = arith.constant 0 : i32
    %dma_wait3A_208 = arith.constant 0 : i32
    %dma_wait3A_209 = tpu.memref_slice %arg6[%dma_wait3A_206, %dma_wait3A_207, %dma_wait3A_208] : memref<6x96x128xf32, #tpu.memory_space<vmem>> -> memref<1x96x128xf32, #tpu.memory_space<vmem>>
    %dma_wait3A_210 = tpu.memref_squeeze %dma_wait3A_209 : memref<1x96x128xf32, #tpu.memory_space<vmem>> -> memref<96x128xf32, #tpu.memory_space<vmem>>
    %dma_wait3A_211 = arith.constant 0 : i32
    %dma_wait3A_212 = tpu.memref_slice %arg5[%dma_wait3A_205, %dma_wait3A_211] : memref<6x96xi32, #tpu.memory_space<vmem>> -> memref<1x96xi32, #tpu.memory_space<vmem>>
    %dma_wait3A_213 = tpu.memref_squeeze %dma_wait3A_212 : memref<1x96xi32, #tpu.memory_space<vmem>> -> memref<96xi32, #tpu.memory_space<vmem>>
    %dma_wait3A_214 = arith.constant 0 : i32
    %dma_wait3A_215 = arith.constant 0 : i32
    %dma_wait3A_216 = tpu.memref_slice %arg2[%dma_wait3A_214, %dma_wait3A_215] : memref<1024x128xf32, #tpu.memory_space<hbm>> -> memref<1024x128xf32, #tpu.memory_space<hbm>>
    tpu.wait_indirect_dma semaphore(%arg8 : memref<!tpu.dma_semaphore, #tpu.memory_space<semaphore_mem>>) src(%dma_wait3A_216 : memref<1024x128xf32, #tpu.memory_space<hbm>>) dst(%dma_wait3A_210 : memref<96x128xf32, #tpu.memory_space<vmem>>)
    %dma_wait3A_217 = arith.constant 2 : i32
    %dma_wait3A_218 = arith.constant 2 : i32
    %dma_wait3A_219 = arith.constant 0 : i32
    %dma_wait3A_220 = arith.constant 0 : i32
    %dma_wait3A_221 = tpu.memref_slice %arg6[%dma_wait3A_218, %dma_wait3A_219, %dma_wait3A_220] : memref<6x96x128xf32, #tpu.memory_space<vmem>> -> memref<1x96x128xf32, #tpu.memory_space<vmem>>
    %dma_wait3A_222 = tpu.memref_squeeze %dma_wait3A_221 : memref<1x96x128xf32, #tpu.memory_space<vmem>> -> memref<96x128xf32, #tpu.memory_space<vmem>>
    %dma_wait3A_223 = arith.constant 0 : i32
    %dma_wait3A_224 = tpu.memref_slice %arg5[%dma_wait3A_217, %dma_wait3A_223] : memref<6x96xi32, #tpu.memory_space<vmem>> -> memref<1x96xi32, #tpu.memory_space<vmem>>
    %dma_wait3A_225 = tpu.memref_squeeze %dma_wait3A_224 : memref<1x96xi32, #tpu.memory_space<vmem>> -> memref<96xi32, #tpu.memory_space<vmem>>
    %dma_wait3A_226 = arith.constant 0 : i32
    %dma_wait3A_227 = arith.constant 0 : i32
    %dma_wait3A_228 = tpu.memref_slice %arg2[%dma_wait3A_226, %dma_wait3A_227] : memref<1024x128xf32, #tpu.memory_space<hbm>> -> memref<1024x128xf32, #tpu.memory_space<hbm>>
    tpu.wait_indirect_dma semaphore(%arg8 : memref<!tpu.dma_semaphore, #tpu.memory_space<semaphore_mem>>) src(%dma_wait3A_228 : memref<1024x128xf32, #tpu.memory_space<hbm>>) dst(%dma_wait3A_222 : memref<96x128xf32, #tpu.memory_space<vmem>>)
    %dma_wait3A_229 = arith.constant 3 : i32
    %dma_wait3A_230 = arith.constant 3 : i32
    %dma_wait3A_231 = arith.constant 0 : i32
    %dma_wait3A_232 = arith.constant 0 : i32
    %dma_wait3A_233 = tpu.memref_slice %arg6[%dma_wait3A_230, %dma_wait3A_231, %dma_wait3A_232] : memref<6x96x128xf32, #tpu.memory_space<vmem>> -> memref<1x96x128xf32, #tpu.memory_space<vmem>>
    %dma_wait3A_234 = tpu.memref_squeeze %dma_wait3A_233 : memref<1x96x128xf32, #tpu.memory_space<vmem>> -> memref<96x128xf32, #tpu.memory_space<vmem>>
    %dma_wait3A_235 = arith.constant 0 : i32
    %dma_wait3A_236 = tpu.memref_slice %arg5[%dma_wait3A_229, %dma_wait3A_235] : memref<6x96xi32, #tpu.memory_space<vmem>> -> memref<1x96xi32, #tpu.memory_space<vmem>>
    %dma_wait3A_237 = tpu.memref_squeeze %dma_wait3A_236 : memref<1x96xi32, #tpu.memory_space<vmem>> -> memref<96xi32, #tpu.memory_space<vmem>>
    %dma_wait3A_238 = arith.constant 0 : i32
    %dma_wait3A_239 = arith.constant 0 : i32
    %dma_wait3A_240 = tpu.memref_slice %arg2[%dma_wait3A_238, %dma_wait3A_239] : memref<1024x128xf32, #tpu.memory_space<hbm>> -> memref<1024x128xf32, #tpu.memory_space<hbm>>
    tpu.wait_indirect_dma semaphore(%arg8 : memref<!tpu.dma_semaphore, #tpu.memory_space<semaphore_mem>>) src(%dma_wait3A_240 : memref<1024x128xf32, #tpu.memory_space<hbm>>) dst(%dma_wait3A_234 : memref<96x128xf32, #tpu.memory_space<vmem>>)
    %dma_wait3A_241 = arith.constant 4 : i32
    %dma_wait3A_242 = arith.constant 4 : i32
    %dma_wait3A_243 = arith.constant 0 : i32
    %dma_wait3A_244 = arith.constant 0 : i32
    %dma_wait3A_245 = tpu.memref_slice %arg6[%dma_wait3A_242, %dma_wait3A_243, %dma_wait3A_244] : memref<6x96x128xf32, #tpu.memory_space<vmem>> -> memref<1x96x128xf32, #tpu.memory_space<vmem>>
    %dma_wait3A_246 = tpu.memref_squeeze %dma_wait3A_245 : memref<1x96x128xf32, #tpu.memory_space<vmem>> -> memref<96x128xf32, #tpu.memory_space<vmem>>
    %dma_wait3A_247 = arith.constant 0 : i32
    %dma_wait3A_248 = tpu.memref_slice %arg5[%dma_wait3A_241, %dma_wait3A_247] : memref<6x96xi32, #tpu.memory_space<vmem>> -> memref<1x96xi32, #tpu.memory_space<vmem>>
    %dma_wait3A_249 = tpu.memref_squeeze %dma_wait3A_248 : memref<1x96xi32, #tpu.memory_space<vmem>> -> memref<96xi32, #tpu.memory_space<vmem>>
    %dma_wait3A_250 = arith.constant 0 : i32
    %dma_wait3A_251 = arith.constant 0 : i32
    %dma_wait3A_252 = tpu.memref_slice %arg2[%dma_wait3A_250, %dma_wait3A_251] : memref<1024x128xf32, #tpu.memory_space<hbm>> -> memref<1024x128xf32, #tpu.memory_space<hbm>>
    tpu.wait_indirect_dma semaphore(%arg8 : memref<!tpu.dma_semaphore, #tpu.memory_space<semaphore_mem>>) src(%dma_wait3A_252 : memref<1024x128xf32, #tpu.memory_space<hbm>>) dst(%dma_wait3A_246 : memref<96x128xf32, #tpu.memory_space<vmem>>)
    %dma_wait3A_253 = arith.constant 5 : i32
    %dma_wait3A_254 = arith.constant 5 : i32
    %dma_wait3A_255 = arith.constant 0 : i32
    %dma_wait3A_256 = arith.constant 0 : i32
    %dma_wait3A_257 = tpu.memref_slice %arg6[%dma_wait3A_254, %dma_wait3A_255, %dma_wait3A_256] : memref<6x96x128xf32, #tpu.memory_space<vmem>> -> memref<1x96x128xf32, #tpu.memory_space<vmem>>
    %dma_wait3A_258 = tpu.memref_squeeze %dma_wait3A_257 : memref<1x96x128xf32, #tpu.memory_space<vmem>> -> memref<96x128xf32, #tpu.memory_space<vmem>>
    %dma_wait3A_259 = arith.constant 0 : i32
    %dma_wait3A_260 = tpu.memref_slice %arg5[%dma_wait3A_253, %dma_wait3A_259] : memref<6x96xi32, #tpu.memory_space<vmem>> -> memref<1x96xi32, #tpu.memory_space<vmem>>
    %dma_wait3A_261 = tpu.memref_squeeze %dma_wait3A_260 : memref<1x96xi32, #tpu.memory_space<vmem>> -> memref<96xi32, #tpu.memory_space<vmem>>
    %dma_wait3A_262 = arith.constant 0 : i32
    %dma_wait3A_263 = arith.constant 0 : i32
    %dma_wait3A_264 = tpu.memref_slice %arg2[%dma_wait3A_262, %dma_wait3A_263] : memref<1024x128xf32, #tpu.memory_space<hbm>> -> memref<1024x128xf32, #tpu.memory_space<hbm>>
    tpu.wait_indirect_dma semaphore(%arg8 : memref<!tpu.dma_semaphore, #tpu.memory_space<semaphore_mem>>) src(%dma_wait3A_264 : memref<1024x128xf32, #tpu.memory_space<hbm>>) dst(%dma_wait3A_258 : memref<96x128xf32, #tpu.memory_space<vmem>>)
    %add3A_265 = arith.constant 0 : i32
    %add3A_266 = arith.addi %mul3A_2, %add3A_265 : i32
    %dma_start3A_267 = arith.constant 0 : i32
    %dma_start3A_268 = arith.constant 0 : i32
    %dma_start3A_269 = arith.constant 0 : i32
    %dma_start3A_270 = tpu.memref_slice %arg6[%dma_start3A_267, %dma_start3A_268, %dma_start3A_269] : memref<6x96x128xf32, #tpu.memory_space<vmem>> -> memref<1x96x128xf32, #tpu.memory_space<vmem>>
    %dma_start3A_271 = tpu.memref_squeeze %dma_start3A_270 : memref<1x96x128xf32, #tpu.memory_space<vmem>> -> memref<96x128xf32, #tpu.memory_space<vmem>>
    %dma_start3A_272 = arith.constant 0 : i32
    %dma_start3A_273 = tpu.memref_slice %arg4[%add3A_266, %dma_start3A_272] : memref<18432x128xf32, #tpu.memory_space<hbm>> -> memref<96x128xf32, #tpu.memory_space<hbm>>
    %dma_start3A_274 = arith.constant 0 : i32
    %dma_start3A_275 = tpu.memref_slice %arg4[%add3A_266, %dma_start3A_274] : memref<18432x128xf32, #tpu.memory_space<hbm>> -> memref<96x128xf32, #tpu.memory_space<hbm>>
    %dma_start3A_276 = arith.constant 0 : i32
    %dma_start3A_277 = arith.constant 0 : i32
    %dma_start3A_278 = tpu.memref_slice %arg6[%dma_start3A_267, %dma_start3A_276, %dma_start3A_277] : memref<6x96x128xf32, #tpu.memory_space<vmem>> -> memref<1x96x128xf32, #tpu.memory_space<vmem>>
    %dma_start3A_279 = tpu.memref_squeeze %dma_start3A_278 : memref<1x96x128xf32, #tpu.memory_space<vmem>> -> memref<96x128xf32, #tpu.memory_space<vmem>>
    tpu.enqueue_dma source(%dma_start3A_279 : memref<96x128xf32, #tpu.memory_space<vmem>>) target(%dma_start3A_275 : memref<96x128xf32, #tpu.memory_space<hbm>>) target_semaphore(%arg9 : memref<!tpu.dma_semaphore, #tpu.memory_space<semaphore_mem>>)
    %add3A_280 = arith.constant 96 : i32
    %add3A_281 = arith.addi %mul3A_2, %add3A_280 : i32
    %dma_start3A_282 = arith.constant 1 : i32
    %dma_start3A_283 = arith.constant 0 : i32
    %dma_start3A_284 = arith.constant 0 : i32
    %dma_start3A_285 = tpu.memref_slice %arg6[%dma_start3A_282, %dma_start3A_283, %dma_start3A_284] : memref<6x96x128xf32, #tpu.memory_space<vmem>> -> memref<1x96x128xf32, #tpu.memory_space<vmem>>
    %dma_start3A_286 = tpu.memref_squeeze %dma_start3A_285 : memref<1x96x128xf32, #tpu.memory_space<vmem>> -> memref<96x128xf32, #tpu.memory_space<vmem>>
    %dma_start3A_287 = arith.constant 0 : i32
    %dma_start3A_288 = tpu.memref_slice %arg4[%add3A_281, %dma_start3A_287] : memref<18432x128xf32, #tpu.memory_space<hbm>> -> memref<96x128xf32, #tpu.memory_space<hbm>>
    %dma_start3A_289 = arith.constant 0 : i32
    %dma_start3A_290 = tpu.memref_slice %arg4[%add3A_281, %dma_start3A_289] : memref<18432x128xf32, #tpu.memory_space<hbm>> -> memref<96x128xf32, #tpu.memory_space<hbm>>
    %dma_start3A_291 = arith.constant 0 : i32
    %dma_start3A_292 = arith.constant 0 : i32
    %dma_start3A_293 = tpu.memref_slice %arg6[%dma_start3A_282, %dma_start3A_291, %dma_start3A_292] : memref<6x96x128xf32, #tpu.memory_space<vmem>> -> memref<1x96x128xf32, #tpu.memory_space<vmem>>
    %dma_start3A_294 = tpu.memref_squeeze %dma_start3A_293 : memref<1x96x128xf32, #tpu.memory_space<vmem>> -> memref<96x128xf32, #tpu.memory_space<vmem>>
    tpu.enqueue_dma source(%dma_start3A_294 : memref<96x128xf32, #tpu.memory_space<vmem>>) target(%dma_start3A_290 : memref<96x128xf32, #tpu.memory_space<hbm>>) target_semaphore(%arg9 : memref<!tpu.dma_semaphore, #tpu.memory_space<semaphore_mem>>)
    %add3A_295 = arith.constant 192 : i32
    %add3A_296 = arith.addi %mul3A_2, %add3A_295 : i32
    %dma_start3A_297 = arith.constant 2 : i32
    %dma_start3A_298 = arith.constant 0 : i32
    %dma_start3A_299 = arith.constant 0 : i32
    %dma_start3A_300 = tpu.memref_slice %arg6[%dma_start3A_297, %dma_start3A_298, %dma_start3A_299] : memref<6x96x128xf32, #tpu.memory_space<vmem>> -> memref<1x96x128xf32, #tpu.memory_space<vmem>>
    %dma_start3A_301 = tpu.memref_squeeze %dma_start3A_300 : memref<1x96x128xf32, #tpu.memory_space<vmem>> -> memref<96x128xf32, #tpu.memory_space<vmem>>
    %dma_start3A_302 = arith.constant 0 : i32
    %dma_start3A_303 = tpu.memref_slice %arg4[%add3A_296, %dma_start3A_302] : memref<18432x128xf32, #tpu.memory_space<hbm>> -> memref<96x128xf32, #tpu.memory_space<hbm>>
    %dma_start3A_304 = arith.constant 0 : i32
    %dma_start3A_305 = tpu.memref_slice %arg4[%add3A_296, %dma_start3A_304] : memref<18432x128xf32, #tpu.memory_space<hbm>> -> memref<96x128xf32, #tpu.memory_space<hbm>>
    %dma_start3A_306 = arith.constant 0 : i32
    %dma_start3A_307 = arith.constant 0 : i32
    %dma_start3A_308 = tpu.memref_slice %arg6[%dma_start3A_297, %dma_start3A_306, %dma_start3A_307] : memref<6x96x128xf32, #tpu.memory_space<vmem>> -> memref<1x96x128xf32, #tpu.memory_space<vmem>>
    %dma_start3A_309 = tpu.memref_squeeze %dma_start3A_308 : memref<1x96x128xf32, #tpu.memory_space<vmem>> -> memref<96x128xf32, #tpu.memory_space<vmem>>
    tpu.enqueue_dma source(%dma_start3A_309 : memref<96x128xf32, #tpu.memory_space<vmem>>) target(%dma_start3A_305 : memref<96x128xf32, #tpu.memory_space<hbm>>) target_semaphore(%arg9 : memref<!tpu.dma_semaphore, #tpu.memory_space<semaphore_mem>>)
    %add3A_310 = arith.constant 288 : i32
    %add3A_311 = arith.addi %mul3A_2, %add3A_310 : i32
    %dma_start3A_312 = arith.constant 3 : i32
    %dma_start3A_313 = arith.constant 0 : i32
    %dma_start3A_314 = arith.constant 0 : i32
    %dma_start3A_315 = tpu.memref_slice %arg6[%dma_start3A_312, %dma_start3A_313, %dma_start3A_314] : memref<6x96x128xf32, #tpu.memory_space<vmem>> -> memref<1x96x128xf32, #tpu.memory_space<vmem>>
    %dma_start3A_316 = tpu.memref_squeeze %dma_start3A_315 : memref<1x96x128xf32, #tpu.memory_space<vmem>> -> memref<96x128xf32, #tpu.memory_space<vmem>>
    %dma_start3A_317 = arith.constant 0 : i32
    %dma_start3A_318 = tpu.memref_slice %arg4[%add3A_311, %dma_start3A_317] : memref<18432x128xf32, #tpu.memory_space<hbm>> -> memref<96x128xf32, #tpu.memory_space<hbm>>
    %dma_start3A_319 = arith.constant 0 : i32
    %dma_start3A_320 = tpu.memref_slice %arg4[%add3A_311, %dma_start3A_319] : memref<18432x128xf32, #tpu.memory_space<hbm>> -> memref<96x128xf32, #tpu.memory_space<hbm>>
    %dma_start3A_321 = arith.constant 0 : i32
    %dma_start3A_322 = arith.constant 0 : i32
    %dma_start3A_323 = tpu.memref_slice %arg6[%dma_start3A_312, %dma_start3A_321, %dma_start3A_322] : memref<6x96x128xf32, #tpu.memory_space<vmem>> -> memref<1x96x128xf32, #tpu.memory_space<vmem>>
    %dma_start3A_324 = tpu.memref_squeeze %dma_start3A_323 : memref<1x96x128xf32, #tpu.memory_space<vmem>> -> memref<96x128xf32, #tpu.memory_space<vmem>>
    tpu.enqueue_dma source(%dma_start3A_324 : memref<96x128xf32, #tpu.memory_space<vmem>>) target(%dma_start3A_320 : memref<96x128xf32, #tpu.memory_space<hbm>>) target_semaphore(%arg9 : memref<!tpu.dma_semaphore, #tpu.memory_space<semaphore_mem>>)
    %add3A_325 = arith.constant 384 : i32
    %add3A_326 = arith.addi %mul3A_2, %add3A_325 : i32
    %dma_start3A_327 = arith.constant 4 : i32
    %dma_start3A_328 = arith.constant 0 : i32
    %dma_start3A_329 = arith.constant 0 : i32
    %dma_start3A_330 = tpu.memref_slice %arg6[%dma_start3A_327, %dma_start3A_328, %dma_start3A_329] : memref<6x96x128xf32, #tpu.memory_space<vmem>> -> memref<1x96x128xf32, #tpu.memory_space<vmem>>
    %dma_start3A_331 = tpu.memref_squeeze %dma_start3A_330 : memref<1x96x128xf32, #tpu.memory_space<vmem>> -> memref<96x128xf32, #tpu.memory_space<vmem>>
    %dma_start3A_332 = arith.constant 0 : i32
    %dma_start3A_333 = tpu.memref_slice %arg4[%add3A_326, %dma_start3A_332] : memref<18432x128xf32, #tpu.memory_space<hbm>> -> memref<96x128xf32, #tpu.memory_space<hbm>>
    %dma_start3A_334 = arith.constant 0 : i32
    %dma_start3A_335 = tpu.memref_slice %arg4[%add3A_326, %dma_start3A_334] : memref<18432x128xf32, #tpu.memory_space<hbm>> -> memref<96x128xf32, #tpu.memory_space<hbm>>
    %dma_start3A_336 = arith.constant 0 : i32
    %dma_start3A_337 = arith.constant 0 : i32
    %dma_start3A_338 = tpu.memref_slice %arg6[%dma_start3A_327, %dma_start3A_336, %dma_start3A_337] : memref<6x96x128xf32, #tpu.memory_space<vmem>> -> memref<1x96x128xf32, #tpu.memory_space<vmem>>
    %dma_start3A_339 = tpu.memref_squeeze %dma_start3A_338 : memref<1x96x128xf32, #tpu.memory_space<vmem>> -> memref<96x128xf32, #tpu.memory_space<vmem>>
    tpu.enqueue_dma source(%dma_start3A_339 : memref<96x128xf32, #tpu.memory_space<vmem>>) target(%dma_start3A_335 : memref<96x128xf32, #tpu.memory_space<hbm>>) target_semaphore(%arg9 : memref<!tpu.dma_semaphore, #tpu.memory_space<semaphore_mem>>)
    %add3A_340 = arith.constant 480 : i32
    %add3A_341 = arith.addi %mul3A_2, %add3A_340 : i32
    %dma_start3A_342 = arith.constant 5 : i32
    %dma_start3A_343 = arith.constant 0 : i32
    %dma_start3A_344 = arith.constant 0 : i32
    %dma_start3A_345 = tpu.memref_slice %arg6[%dma_start3A_342, %dma_start3A_343, %dma_start3A_344] : memref<6x96x128xf32, #tpu.memory_space<vmem>> -> memref<1x96x128xf32, #tpu.memory_space<vmem>>
    %dma_start3A_346 = tpu.memref_squeeze %dma_start3A_345 : memref<1x96x128xf32, #tpu.memory_space<vmem>> -> memref<96x128xf32, #tpu.memory_space<vmem>>
    %dma_start3A_347 = arith.constant 0 : i32
    %dma_start3A_348 = tpu.memref_slice %arg4[%add3A_341, %dma_start3A_347] : memref<18432x128xf32, #tpu.memory_space<hbm>> -> memref<96x128xf32, #tpu.memory_space<hbm>>
    %dma_start3A_349 = arith.constant 0 : i32
    %dma_start3A_350 = tpu.memref_slice %arg4[%add3A_341, %dma_start3A_349] : memref<18432x128xf32, #tpu.memory_space<hbm>> -> memref<96x128xf32, #tpu.memory_space<hbm>>
    %dma_start3A_351 = arith.constant 0 : i32
    %dma_start3A_352 = arith.constant 0 : i32
    %dma_start3A_353 = tpu.memref_slice %arg6[%dma_start3A_342, %dma_start3A_351, %dma_start3A_352] : memref<6x96x128xf32, #tpu.memory_space<vmem>> -> memref<1x96x128xf32, #tpu.memory_space<vmem>>
    %dma_start3A_354 = tpu.memref_squeeze %dma_start3A_353 : memref<1x96x128xf32, #tpu.memory_space<vmem>> -> memref<96x128xf32, #tpu.memory_space<vmem>>
    tpu.enqueue_dma source(%dma_start3A_354 : memref<96x128xf32, #tpu.memory_space<vmem>>) target(%dma_start3A_350 : memref<96x128xf32, #tpu.memory_space<hbm>>) target_semaphore(%arg9 : memref<!tpu.dma_semaphore, #tpu.memory_space<semaphore_mem>>)
    %dma_wait3A_355 = arith.constant 0 : i32
    %dma_wait3A_356 = arith.constant 0 : i32
    %dma_wait3A_357 = arith.constant 0 : i32
    %dma_wait3A_358 = tpu.memref_slice %arg6[%dma_wait3A_355, %dma_wait3A_356, %dma_wait3A_357] : memref<6x96x128xf32, #tpu.memory_space<vmem>> -> memref<1x96x128xf32, #tpu.memory_space<vmem>>
    %dma_wait3A_359 = tpu.memref_squeeze %dma_wait3A_358 : memref<1x96x128xf32, #tpu.memory_space<vmem>> -> memref<96x128xf32, #tpu.memory_space<vmem>>
    %dma_wait3A_360 = arith.constant 0 : i32
    %dma_wait3A_361 = tpu.memref_slice %arg4[%add3A_266, %dma_wait3A_360] : memref<18432x128xf32, #tpu.memory_space<hbm>> -> memref<96x128xf32, #tpu.memory_space<hbm>>
    %dma_wait3A_362 = arith.constant 0 : i32
    %dma_wait3A_363 = tpu.memref_slice %arg4[%add3A_266, %dma_wait3A_362] : memref<18432x128xf32, #tpu.memory_space<hbm>> -> memref<96x128xf32, #tpu.memory_space<hbm>>
    %dma_wait3A_364 = arith.constant 0 : i32
    %dma_wait3A_365 = arith.constant 0 : i32
    %dma_wait3A_366 = tpu.memref_slice %arg6[%dma_wait3A_355, %dma_wait3A_364, %dma_wait3A_365] : memref<6x96x128xf32, #tpu.memory_space<vmem>> -> memref<1x96x128xf32, #tpu.memory_space<vmem>>
    %dma_wait3A_367 = tpu.memref_squeeze %dma_wait3A_366 : memref<1x96x128xf32, #tpu.memory_space<vmem>> -> memref<96x128xf32, #tpu.memory_space<vmem>>
    tpu.wait_dma2 semaphore(%arg9 : memref<!tpu.dma_semaphore, #tpu.memory_space<semaphore_mem>>) src(%dma_wait3A_367 : memref<96x128xf32, #tpu.memory_space<vmem>>) dst(%dma_wait3A_363 : memref<96x128xf32, #tpu.memory_space<hbm>>)
    %dma_wait3A_368 = arith.constant 1 : i32
    %dma_wait3A_369 = arith.constant 0 : i32
    %dma_wait3A_370 = arith.constant 0 : i32
    %dma_wait3A_371 = tpu.memref_slice %arg6[%dma_wait3A_368, %dma_wait3A_369, %dma_wait3A_370] : memref<6x96x128xf32, #tpu.memory_space<vmem>> -> memref<1x96x128xf32, #tpu.memory_space<vmem>>
    %dma_wait3A_372 = tpu.memref_squeeze %dma_wait3A_371 : memref<1x96x128xf32, #tpu.memory_space<vmem>> -> memref<96x128xf32, #tpu.memory_space<vmem>>
    %dma_wait3A_373 = arith.constant 0 : i32
    %dma_wait3A_374 = tpu.memref_slice %arg4[%add3A_281, %dma_wait3A_373] : memref<18432x128xf32, #tpu.memory_space<hbm>> -> memref<96x128xf32, #tpu.memory_space<hbm>>
    %dma_wait3A_375 = arith.constant 0 : i32
    %dma_wait3A_376 = tpu.memref_slice %arg4[%add3A_281, %dma_wait3A_375] : memref<18432x128xf32, #tpu.memory_space<hbm>> -> memref<96x128xf32, #tpu.memory_space<hbm>>
    %dma_wait3A_377 = arith.constant 0 : i32
    %dma_wait3A_378 = arith.constant 0 : i32
    %dma_wait3A_379 = tpu.memref_slice %arg6[%dma_wait3A_368, %dma_wait3A_377, %dma_wait3A_378] : memref<6x96x128xf32, #tpu.memory_space<vmem>> -> memref<1x96x128xf32, #tpu.memory_space<vmem>>
    %dma_wait3A_380 = tpu.memref_squeeze %dma_wait3A_379 : memref<1x96x128xf32, #tpu.memory_space<vmem>> -> memref<96x128xf32, #tpu.memory_space<vmem>>
    tpu.wait_dma2 semaphore(%arg9 : memref<!tpu.dma_semaphore, #tpu.memory_space<semaphore_mem>>) src(%dma_wait3A_380 : memref<96x128xf32, #tpu.memory_space<vmem>>) dst(%dma_wait3A_376 : memref<96x128xf32, #tpu.memory_space<hbm>>)
    %dma_wait3A_381 = arith.constant 2 : i32
    %dma_wait3A_382 = arith.constant 0 : i32
    %dma_wait3A_383 = arith.constant 0 : i32
    %dma_wait3A_384 = tpu.memref_slice %arg6[%dma_wait3A_381, %dma_wait3A_382, %dma_wait3A_383] : memref<6x96x128xf32, #tpu.memory_space<vmem>> -> memref<1x96x128xf32, #tpu.memory_space<vmem>>
    %dma_wait3A_385 = tpu.memref_squeeze %dma_wait3A_384 : memref<1x96x128xf32, #tpu.memory_space<vmem>> -> memref<96x128xf32, #tpu.memory_space<vmem>>
    %dma_wait3A_386 = arith.constant 0 : i32
    %dma_wait3A_387 = tpu.memref_slice %arg4[%add3A_296, %dma_wait3A_386] : memref<18432x128xf32, #tpu.memory_space<hbm>> -> memref<96x128xf32, #tpu.memory_space<hbm>>
    %dma_wait3A_388 = arith.constant 0 : i32
    %dma_wait3A_389 = tpu.memref_slice %arg4[%add3A_296, %dma_wait3A_388] : memref<18432x128xf32, #tpu.memory_space<hbm>> -> memref<96x128xf32, #tpu.memory_space<hbm>>
    %dma_wait3A_390 = arith.constant 0 : i32
    %dma_wait3A_391 = arith.constant 0 : i32
    %dma_wait3A_392 = tpu.memref_slice %arg6[%dma_wait3A_381, %dma_wait3A_390, %dma_wait3A_391] : memref<6x96x128xf32, #tpu.memory_space<vmem>> -> memref<1x96x128xf32, #tpu.memory_space<vmem>>
    %dma_wait3A_393 = tpu.memref_squeeze %dma_wait3A_392 : memref<1x96x128xf32, #tpu.memory_space<vmem>> -> memref<96x128xf32, #tpu.memory_space<vmem>>
    tpu.wait_dma2 semaphore(%arg9 : memref<!tpu.dma_semaphore, #tpu.memory_space<semaphore_mem>>) src(%dma_wait3A_393 : memref<96x128xf32, #tpu.memory_space<vmem>>) dst(%dma_wait3A_389 : memref<96x128xf32, #tpu.memory_space<hbm>>)
    %dma_wait3A_394 = arith.constant 3 : i32
    %dma_wait3A_395 = arith.constant 0 : i32
    %dma_wait3A_396 = arith.constant 0 : i32
    %dma_wait3A_397 = tpu.memref_slice %arg6[%dma_wait3A_394, %dma_wait3A_395, %dma_wait3A_396] : memref<6x96x128xf32, #tpu.memory_space<vmem>> -> memref<1x96x128xf32, #tpu.memory_space<vmem>>
    %dma_wait3A_398 = tpu.memref_squeeze %dma_wait3A_397 : memref<1x96x128xf32, #tpu.memory_space<vmem>> -> memref<96x128xf32, #tpu.memory_space<vmem>>
    %dma_wait3A_399 = arith.constant 0 : i32
    %dma_wait3A_400 = tpu.memref_slice %arg4[%add3A_311, %dma_wait3A_399] : memref<18432x128xf32, #tpu.memory_space<hbm>> -> memref<96x128xf32, #tpu.memory_space<hbm>>
    %dma_wait3A_401 = arith.constant 0 : i32
    %dma_wait3A_402 = tpu.memref_slice %arg4[%add3A_311, %dma_wait3A_401] : memref<18432x128xf32, #tpu.memory_space<hbm>> -> memref<96x128xf32, #tpu.memory_space<hbm>>
    %dma_wait3A_403 = arith.constant 0 : i32
    %dma_wait3A_404 = arith.constant 0 : i32
    %dma_wait3A_405 = tpu.memref_slice %arg6[%dma_wait3A_394, %dma_wait3A_403, %dma_wait3A_404] : memref<6x96x128xf32, #tpu.memory_space<vmem>> -> memref<1x96x128xf32, #tpu.memory_space<vmem>>
    %dma_wait3A_406 = tpu.memref_squeeze %dma_wait3A_405 : memref<1x96x128xf32, #tpu.memory_space<vmem>> -> memref<96x128xf32, #tpu.memory_space<vmem>>
    tpu.wait_dma2 semaphore(%arg9 : memref<!tpu.dma_semaphore, #tpu.memory_space<semaphore_mem>>) src(%dma_wait3A_406 : memref<96x128xf32, #tpu.memory_space<vmem>>) dst(%dma_wait3A_402 : memref<96x128xf32, #tpu.memory_space<hbm>>)
    %dma_wait3A_407 = arith.constant 4 : i32
    %dma_wait3A_408 = arith.constant 0 : i32
    %dma_wait3A_409 = arith.constant 0 : i32
    %dma_wait3A_410 = tpu.memref_slice %arg6[%dma_wait3A_407, %dma_wait3A_408, %dma_wait3A_409] : memref<6x96x128xf32, #tpu.memory_space<vmem>> -> memref<1x96x128xf32, #tpu.memory_space<vmem>>
    %dma_wait3A_411 = tpu.memref_squeeze %dma_wait3A_410 : memref<1x96x128xf32, #tpu.memory_space<vmem>> -> memref<96x128xf32, #tpu.memory_space<vmem>>
    %dma_wait3A_412 = arith.constant 0 : i32
    %dma_wait3A_413 = tpu.memref_slice %arg4[%add3A_326, %dma_wait3A_412] : memref<18432x128xf32, #tpu.memory_space<hbm>> -> memref<96x128xf32, #tpu.memory_space<hbm>>
    %dma_wait3A_414 = arith.constant 0 : i32
    %dma_wait3A_415 = tpu.memref_slice %arg4[%add3A_326, %dma_wait3A_414] : memref<18432x128xf32, #tpu.memory_space<hbm>> -> memref<96x128xf32, #tpu.memory_space<hbm>>
    %dma_wait3A_416 = arith.constant 0 : i32
    %dma_wait3A_417 = arith.constant 0 : i32
    %dma_wait3A_418 = tpu.memref_slice %arg6[%dma_wait3A_407, %dma_wait3A_416, %dma_wait3A_417] : memref<6x96x128xf32, #tpu.memory_space<vmem>> -> memref<1x96x128xf32, #tpu.memory_space<vmem>>
    %dma_wait3A_419 = tpu.memref_squeeze %dma_wait3A_418 : memref<1x96x128xf32, #tpu.memory_space<vmem>> -> memref<96x128xf32, #tpu.memory_space<vmem>>
    tpu.wait_dma2 semaphore(%arg9 : memref<!tpu.dma_semaphore, #tpu.memory_space<semaphore_mem>>) src(%dma_wait3A_419 : memref<96x128xf32, #tpu.memory_space<vmem>>) dst(%dma_wait3A_415 : memref<96x128xf32, #tpu.memory_space<hbm>>)
    %dma_wait3A_420 = arith.constant 5 : i32
    %dma_wait3A_421 = arith.constant 0 : i32
    %dma_wait3A_422 = arith.constant 0 : i32
    %dma_wait3A_423 = tpu.memref_slice %arg6[%dma_wait3A_420, %dma_wait3A_421, %dma_wait3A_422] : memref<6x96x128xf32, #tpu.memory_space<vmem>> -> memref<1x96x128xf32, #tpu.memory_space<vmem>>
    %dma_wait3A_424 = tpu.memref_squeeze %dma_wait3A_423 : memref<1x96x128xf32, #tpu.memory_space<vmem>> -> memref<96x128xf32, #tpu.memory_space<vmem>>
    %dma_wait3A_425 = arith.constant 0 : i32
    %dma_wait3A_426 = tpu.memref_slice %arg4[%add3A_341, %dma_wait3A_425] : memref<18432x128xf32, #tpu.memory_space<hbm>> -> memref<96x128xf32, #tpu.memory_space<hbm>>
    %dma_wait3A_427 = arith.constant 0 : i32
    %dma_wait3A_428 = tpu.memref_slice %arg4[%add3A_341, %dma_wait3A_427] : memref<18432x128xf32, #tpu.memory_space<hbm>> -> memref<96x128xf32, #tpu.memory_space<hbm>>
    %dma_wait3A_429 = arith.constant 0 : i32
    %dma_wait3A_430 = arith.constant 0 : i32
    %dma_wait3A_431 = tpu.memref_slice %arg6[%dma_wait3A_420, %dma_wait3A_429, %dma_wait3A_430] : memref<6x96x128xf32, #tpu.memory_space<vmem>> -> memref<1x96x128xf32, #tpu.memory_space<vmem>>
    %dma_wait3A_432 = tpu.memref_squeeze %dma_wait3A_431 : memref<1x96x128xf32, #tpu.memory_space<vmem>> -> memref<96x128xf32, #tpu.memory_space<vmem>>
    tpu.wait_dma2 semaphore(%arg9 : memref<!tpu.dma_semaphore, #tpu.memory_space<semaphore_mem>>) src(%dma_wait3A_432 : memref<96x128xf32, #tpu.memory_space<vmem>>) dst(%dma_wait3A_428 : memref<96x128xf32, #tpu.memory_space<hbm>>)
    return
  }
}

module attributes {stable_mosaic.version = 14 : i64} {
  func.func @_vq_body_t(%arg0: i32, %arg1: memref<1x1x576xf32, #tpu.memory_space<vmem>>, %arg2: memref<1x64x576xf32, #tpu.memory_space<vmem>>, %arg3: memref<1024x64xf32, #tpu.memory_space<vmem>>, %arg4: memref<1024x1xf32, #tpu.memory_space<vmem>>, %arg5: memref<1x1x576xi32, #tpu.memory_space<vmem>>) attributes {dimension_semantics = [#tpu.dimension_semantics<arbitrary>], iteration_bounds = array<i64: 32>, scalar_prefetch = 0 : i64, scratch_operands = 0 : i64, tpu.core_type = #tpu.core_type<tc>, window_params = [{transform_indices = @transform_0, window_bounds = array<i64: 1, 1, 576>}, {transform_indices = @transform_1, window_bounds = array<i64: 1, 64, 576>}, {pipeline_mode = #tpu.pipeline_mode<synchronous>, transform_indices = @transform_2, window_bounds = array<i64: 1024, 64>}, {pipeline_mode = #tpu.pipeline_mode<synchronous>, transform_indices = @transform_3, window_bounds = array<i64: 1024, 1>}, {transform_indices = @transform_4, window_bounds = array<i64: 1, 1, 576>}]} {
    %get3A = arith.constant 0 : index
    %get3A_0 = arith.constant 0 : index
    %get3A_1 = vector.load %arg3[%get3A, %get3A_0] : memref<1024x64xf32, #tpu.memory_space<vmem>>, vector<1024x64xf32>
    %get3A_2 = arith.constant 0 : index
    %get3A_3 = arith.constant 0 : index
    %get3A_4 = arith.constant 0 : index
    %get3A_5 = vector.load %arg2[%get3A_2, %get3A_3, %get3A_4] : memref<1x64x576xf32, #tpu.memory_space<vmem>>, vector<1x64x576xf32>
    %get3A_6 = vector.shape_cast %get3A_5 : vector<1x64x576xf32> to vector<64x576xf32>
    %dot_general3A = arith.constant dense<0.000000e+00> : vector<1024x576xf32>
    %dot_general3A_7 = tpu.matmul %get3A_1, %get3A_6, %dot_general3A {dimension_numbers = #tpu.dot_dimension_numbers<[1], [0], [0], [1], [0, 0, 1, 1], [], []>, transpose_lhs_hint = false} : vector<1024x64xf32>, vector<64x576xf32>, vector<1024x576xf32> -> vector<1024x576xf32>
    %get3A_8 = arith.constant 0 : index
    %get3A_9 = arith.constant 0 : index
    %get3A_10 = arith.constant 0 : index
    %get3A_11 = vector.load %arg1[%get3A_8, %get3A_9, %get3A_10] : memref<1x1x576xf32, #tpu.memory_space<vmem>>, vector<1x1x576xf32>
    %get3A_12 = vector.shape_cast %get3A_11 : vector<1x1x576xf32> to vector<1x576xf32>
    %add3A = vector.broadcast %get3A_12 : vector<1x576xf32> to vector<1024x576xf32>
    %add3A_13 = arith.addf %add3A, %dot_general3A_7 : vector<1024x576xf32>
    %get3A_14 = arith.constant 0 : index
    %get3A_15 = arith.constant 0 : index
    %get3A_16 = vector.load %arg4[%get3A_14, %get3A_15] : memref<1024x1xf32, #tpu.memory_space<vmem>>, vector<1024x1xf32>
    %add3A_17 = vector.broadcast %get3A_16 : vector<1024x1xf32> to vector<1024x576xf32>
    %add3A_18 = arith.addf %add3A_13, %add3A_17 : vector<1024x576xf32>
    %iota3A = tpu.iota {dimensions = array<i32: 0>} : vector<1024x576xi32>
    %reduce_min3A = arith.constant dense<0x7F800000> : vector<576xf32>
    %reduce_min3A_19 = vector.multi_reduction <minimumf>, %add3A_18, %reduce_min3A [0] : vector<1024x576xf32> to vector<576xf32>
    %broadcast_in_dim3A = vector.shape_cast %reduce_min3A_19 : vector<576xf32> to vector<1x576xf32>
    %eq3A = vector.broadcast %broadcast_in_dim3A : vector<1x576xf32> to vector<1024x576xf32>
    %eq3A_20 = arith.cmpf oeq, %add3A_18, %eq3A : vector<1024x576xf32>
    %jit3A = arith.constant 1024 : i32
    %broadcast_in_dim3A_21 = vector.broadcast %jit3A : i32 to vector<1024x576xi32>
    %select_n3A = arith.select %eq3A_20, %iota3A, %broadcast_in_dim3A_21 : vector<1024x576xi1>, vector<1024x576xi32>
    %reduce_min3A_22 = arith.constant dense<2147483647> : vector<576xi32>
    %reduce_min3A_23 = vector.multi_reduction <minsi>, %select_n3A, %reduce_min3A_22 [0] : vector<1024x576xi32> to vector<576xi32>
    %broadcast_in_dim3A_24 = vector.shape_cast %reduce_min3A_23 : vector<576xi32> to vector<1x576xi32>
    %swap3A = arith.constant 0 : index
    %swap3A_25 = arith.constant 0 : index
    %swap3A_26 = arith.constant 0 : index
    %swap3A_27 = vector.load %arg5[%swap3A, %swap3A_25, %swap3A_26] : memref<1x1x576xi32, #tpu.memory_space<vmem>>, vector<1x1x576xi32>
    %swap3A_28 = vector.shape_cast %swap3A_27 : vector<1x1x576xi32> to vector<1x576xi32>
    %swap3A_29 = vector.shape_cast %broadcast_in_dim3A_24 : vector<1x576xi32> to vector<1x1x576xi32>
    tpu.vector_store %arg5[%swap3A, %swap3A_25, %swap3A_26], %swap3A_29 {strides = array<i32>} : memref<1x1x576xi32, #tpu.memory_space<vmem>>, vector<1x1x576xi32>,
    return
  }
  func.func @transform_0(%arg0: i32) -> (i32, i32, i32) {
    %c0_i32 = arith.constant 0 : i32
    %c0_i32_0 = arith.constant 0 : i32
    %c0_i32_1 = arith.constant 0 : i32
    return %arg0, %c0_i32, %c0_i32_0 : i32, i32, i32
  }
  func.func @transform_1(%arg0: i32) -> (i32, i32, i32) {
    %c0_i32 = arith.constant 0 : i32
    %c0_i32_0 = arith.constant 0 : i32
    %c0_i32_1 = arith.constant 0 : i32
    return %arg0, %c0_i32, %c0_i32_0 : i32, i32, i32
  }
  func.func @transform_2(%arg0: i32) -> (i32, i32) {
    %c0_i32 = arith.constant 0 : i32
    %c0_i32_0 = arith.constant 0 : i32
    %c0_i32_1 = arith.constant 0 : i32
    return %c0_i32, %c0_i32_0 : i32, i32
  }
  func.func @transform_3(%arg0: i32) -> (i32, i32) {
    %c0_i32 = arith.constant 0 : i32
    %c0_i32_0 = arith.constant 0 : i32
    %c0_i32_1 = arith.constant 0 : i32
    return %c0_i32, %c0_i32_0 : i32, i32
  }
  func.func @transform_4(%arg0: i32) -> (i32, i32, i32) {
    %c0_i32 = arith.constant 0 : i32
    %c0_i32_0 = arith.constant 0 : i32
    %c0_i32_1 = arith.constant 0 : i32
    return %arg0, %c0_i32, %c0_i32_0 : i32, i32, i32
  }
}

</mosaic_0001>

<sc_bundles>
// kernel: kernel.4.cloned.1.call-start
scs
__scs_entry_jumppad:
0x0: {  	(pc) =	sbr.rel $0x88, $3  }
0x1: {  	(tag) =	ssettag $0x0;
	lr =	simm.s32 $0x1  }
0x2: {  	[smem:$0x3F9F] =	sst lr;
	_ =	strace $0xD0000000  }
0x3: {  	_ = 	snop  }
0x4: {  	_ = 	snop  }
0x5: {  	_ = 	snop  }
0x6: {  	_ = 	snop  }
0x7: {  	_ = 	snop  }
__scs_overlays_trampoline_lowered:
0x8: {  	[smem:$0x3FAE] =	sst s0  }
0x9: {  	[smem:$0x3FAF] =	sst s1  }
0xa: {  	[smem:$0x3FB0] =	sst s2  }
0xb: {  	[smem:$0x3FB1] =	sst s3  }
0xc: {  	[smem:$0x3FB2] =	sst s4  }
0xd: {  	[smem:$0x3FB3] =	sst s5  }
0xe: {  	[smem:$0x3FB4] =	sst s6  }
0xf: {  	[smem:$0x3FB5] =	sst s7  }
0x10: {  	[smem:$0x3FB6] =	sst s8  }
0x11: {  	[smem:$0x3FB7] =	sst s9;
	s0 =	simm.s32 @!p0 $0x0  }
0x12: {  	s1 =	sld [smem:$0x3F9D];
	s0 =	simm.s32 @p0 $0x1  }
0x13: {  	[smem:$0x3FB8] =	sst s0;
	s0 =	simm.s32 @!p1 $0x0  }
0x14: {  	s2 =	sld [smem:$0x3F9C];
	s0 =	simm.s32 @p1 $0x1  }
0x15: {  	[smem:$0x3FB9] =	sst s0;
	s0 =	simm.s32 @!p2 $0x0  }
0x16: {  	s3 =	sld [smem:$0x3FDB];
	s0 =	simm.s32 @p2 $0x1  }
0x17: {  	s4 =	simm.s32 $0x1BF5;
	[smem:$0x3FBB] =	sst s0  }
0x18: {  	s0 =	sld [smem:$0x3F9E];
	_ =	swait.ge [sflag:s4], $0x0  }
0x19: {  	s7 =	sld [smem:$0x3F9F]  }
0x1a: {  	s8 =	sadd.s32 $0xFFFFE003, lr  }
0x1b: {  	s9 =	sadd.s32 $0xFFFFFEF7, lr;
	s5 =	simm.s32 $0xFFFFFFFF;
	p2 =	slt.u32 s8, $0xFFFFF086  }
0x1c: {  	p1 =	slt.u32 s9, $0xF7A;
	s5 =	simm.s32 @!p2 $0x0  }
0x1d: {  	s5 =	simm.s32 @p1 $0x1;
	p0 =	seq.s32 s7, s2  }
0x1e: {  	s7 =	smul.u32 @!p0 $0xF7A, s2;
	p2 =	seq.s32 @!p0 s5, $0x0  }
0x1f: {  	s9 =	smul.u32 $0xF7A, s1;
	s8 =	simm.s32 @!p0 $0x1BF5;
	p2 =	por !p2, p0  }
0x20: {  	[sflag:s8] =	ssyncset.s32 @!p0 $0xFFFFF086;
	s6 =	sadd.s32 @!p0 s3, s7;
	s7 =	simm.s32 @!p0 $0x108  }
0x21: {  	s3 =	sadd.s32 s3, s9;
	s6 =	sadd.s32 @!p0 $0x88, s6;
	s7 =	simm.s32 @p2 $0x1082  }
0x22: {  	[simem:s7], [sflag:s8] =	dma.local @!p0 [hbm:s6], $0xF7A  }
0x23: {  	s9 =	sor.u32 $0xD0000000, s2;
	s6 =	simm.s32 $0x108;
	_ =	swait.ge @!p0 [sflag:s8], $0x0  }
0x24: {  	s3 =	sadd.s32 $0x88, s3;
	s6 =	simm.s32 @!p1 $0x1082;
	[sflag:s4] =	ssyncset.s32 $0xFFFFF086  }
0x25: {  	[simem:s6], [sflag:s4] =	dma.local [hbm:s3], $0xF7A  }
0x26: {  	[smem:$0x3F9F] =	sst s1;
	(tag) =	ssettag s2;
	_ =	strace s9  }
0x27: {  	s1 =	sld [smem:$0x3FAF]  }
0x28: {  	s2 =	sld [smem:$0x3FB0]  }
0x29: {  	s4 =	sld [smem:$0x3FB2]  }
0x2a: {  	p0 =	seq.s32 s5, $0x0;
	s5 =	sld [smem:$0x3FB3]  }
0x2b: {  	s6 =	sld [smem:$0x3FB4]  }
0x2c: {  	s7 =	sld [smem:$0x3FB5]  }
0x2d: {  	s3 =	simm.s32 $0x108;
	s8 =	sld [smem:$0x3FB6]  }
0x2e: {  	s3 =	simm.s32 @!p0 $0x1082;
	s9 =	sld [smem:$0x3FB7]  }
0x2f: {  	lr =	sadd.s32 s0, s3;
	s0 =	sld [smem:$0x3FAE]  }
0x30: {  	s3 =	sld [smem:$0x3FB1]  }
0x31: {  	[smem:$0x3FBA] =	sst s10  }
0x32: {  	s10 =	sld [smem:$0x3FB8];
	_ =	sdelay $0x3  }
0x33: {  	p0 =	seq.s32 s10, $0x1;
	s10 =	sld [smem:$0x3FBA];
	_ =	sdelay $0x3  }
0x34: {  	[smem:$0x3FBA] =	sst s10  }
0x35: {  	s10 =	sld [smem:$0x3FB9];
	_ =	sdelay $0x3  }
0x36: {  	p1 =	seq.s32 s10, $0x1;
	s10 =	sld [smem:$0x3FBA];
	_ =	sdelay $0x3  }
0x37: {  	[smem:$0x3FBA] =	sst s10  }
0x38: {  	s10 =	sld [smem:$0x3FBB]  }
0x39: {  	_ = 	snop;
	(pc) =	sbr.ind lr, $3  }
0x3a: {  	_ = 	snop  }
0x3b: {  	_ = 	snop  }
0x3c: {  	p2 =	seq.s32 s10, $0x1;
	s10 =	sld [smem:$0x3FBA]  }
0x3d: {  	_ =	shalt  }
0x3e: {  	_ =	shalt  }
0x3f: {  	_ =	shalt  }
0x40: {  	_ =	shalt  }
0x41: {  	_ =	shalt  }
0x42: {  	_ =	shalt  }
0x43: {  	_ =	shalt  }
0x44: {  	_ =	shalt  }
0x45: {  	_ =	shalt  }
0x46: {  	_ =	shalt  }
0x47: {  	_ =	shalt  }
0x48: {  	_ =	shalt  }
0x49: {  	_ =	shalt  }
0x4a: {  	_ =	shalt  }
0x4b: {  	_ =	shalt  }
0x4c: {  	_ =	shalt  }
0x4d: {  	_ =	shalt  }
0x4e: {  	_ =	shalt  }
0x4f: {  	_ =	shalt  }
0x50: {  	_ =	shalt  }
0x51: {  	_ =	shalt  }
0x52: {  	_ =	shalt  }
0x53: {  	_ =	shalt  }
0x54: {  	_ =	shalt  }
0x55: {  	_ =	shalt  }
0x56: {  	_ =	shalt  }
0x57: {  	_ =	shalt  }
0x58: {  	_ =	shalt  }
0x59: {  	_ =	shalt  }
0x5a: {  	_ =	shalt  }
0x5b: {  	_ =	shalt  }
0x5c: {  	_ =	shalt  }
0x5d: {  	_ =	shalt  }
0x5e: {  	_ =	shalt  }
0x5f: {  	_ =	shalt  }
0x60: {  	_ =	shalt  }
0x61: {  	_ =	shalt  }
0x62: {  	_ =	shalt  }
0x63: {  	_ =	shalt  }
0x64: {  	_ =	shalt  }
0x65: {  	_ =	shalt  }
0x66: {  	_ =	shalt  }
0x67: {  	_ =	shalt  }
0x68: {  	_ =	shalt  }
0x69: {  	_ =	shalt  }
0x6a: {  	_ =	shalt  }
0x6b: {  	_ =	shalt  }
0x6c: {  	_ =	shalt  }
0x6d: {  	_ =	shalt  }
0x6e: {  	_ =	shalt  }
0x6f: {  	_ =	shalt  }
0x70: {  	_ =	shalt  }
0x71: {  	_ =	shalt  }
0x72: {  	_ =	shalt  }
0x73: {  	_ =	shalt  }
0x74: {  	_ =	shalt  }
0x75: {  	_ =	shalt  }
0x76: {  	_ =	shalt  }
0x77: {  	_ =	shalt  }
0x78: {  	_ =	shalt  }
0x79: {  	_ =	shalt  }
0x7a: {  	_ =	shalt  }
0x7b: {  	_ =	shalt  }
0x7c: {  	_ =	shalt  }
0x7d: {  	_ =	shalt  }
0x7e: {  	_ =	shalt  }
0x7f: {  	_ =	shalt  }
0x80: {  	_ =	shalt  }
0x81: {  	_ =	shalt  }
0x82: {  	_ =	shalt  }
0x83: {  	_ =	shalt  }
0x84: {  	_ =	shalt  }
0x85: {  	_ =	shalt  }
0x86: {  	_ =	shalt  }
0x87: {  	_ =	shalt  }
.Lfunc_end0:
.L_simem_size_0:
called_computation_lowered:
.L_overlay_start_0:
0x88: {  	s2 =	sld [smem:$0x3FD9]  }
0x89: {  	s3 =	sld [smem:$0x3FFE];
	_ =	sdelay $0x1  }
0x8a: {  	s1 =	srdreg.scid  }
0x8b: {  	s0 =	sand.u32 $0x1, s1  }
0x8c: {  	s14 =	sshll.u32 s0, $0xA;
	s2 =	sadd.s32 s3, s2  }
0x8d: {  	s2 =	sadd.s32 s2, s14  }
0x8e: {  	[smem:$0x3FC6] =	sst s2  }
0x8f: {  	_ = 	snop  }
0x90: {  	s2 =	sld [smem:$0x3FD0];
	_ =	sdelay $0x2  }
0x91: {  	s15 =	simm.s32 $0xA;
	s4 =	simm.s32 $0x10  }
0x92: {  	[smem:s4], [sflag:s15] =	dma.local [hbm:s2], $0x1  }
0x93: {  	_ =	swait.eq [sflag:s15], $0x1  }
0x94: {  	[sflag:s15] =	ssyncset.done $0x0  }
0x95: {  	[sflag:s15] =	ssyncadd.s32 $0xFFFFFFFF  }
0x96: {  	s16 =	sld [smem:$0x10];
	(tm) =	ssettm $0x1  }
0x97: {  	s17 =	sld [smem:$0x3FFB];
	_ =	sdelay $0x3  }
0x98: {  	_ =	strace s17  }
0x99: {  	s3 =	sld [smem:$0x3FFC];
	_ =	sdelay $0x3  }
0x9a: {  	_ =	strace s3  }
0x9b: {  	s3 =	sld [smem:$0x3FFD];
	_ =	sdelay $0x3  }
0x9c: {  	_ =	strace s3  }
0x9d: {  	_ =	strace $0x8FFFFFFF  }
0x9e: {  	s18 =	sld [smem:$0x3FDB];
	_ =	sdelay $0x1  }
0x9f: {  	s19 =	simm.s32 $_scs_section_size  }
0xa0: {  	s5 =	simm.s32 $_size__tile_overlayer_lowered;
	s6 =	simm.s32 $_tile_overlayer_lowered  }
0xa1: {  	s22 =	simm.s32 $0x1BFF;
	s21 =	sshll.u32 s6, $0x1;
	s3 =	sadd.s32 s19, s18  }
0xa2: {  	s7 =	simm.s32 $0x0;
	s20 =	sshll.u32 s5, $0x1;
	s5 =	sadd.s32 s21, s3  }
0xa3: {  	[timem:s7], [sflag:s22] =	dma.local [hbm:s5], s20  }
0xa4: {  	_ =	swait.ge [sflag:s22], s20  }
0xa5: {  	s4 =	ssub.s32 $0x0, s20;
	[sflag:s22] =	ssyncset.done $0x0  }
0xa6: {  	[sflag:s22] =	ssyncadd.s32 s4;
	_ =	sdelay $0x1  }
0xa7: {  	s23 =	simm.s32 $0x1B8B  }
0xa8: {  	_ =	swait.ge [sflag:s23], $0x1  }
0xa9: {  	[sflag:s23] =	ssyncset.done $0x0  }
0xaa: {  	s25 =	simm.s32 $0x1B8E;
	s24 =	sld [smem:$0x3FFE];
	[sflag:s23] =	ssyncadd.s32 $0xFFFFFFFF  }
0xab: {  	s26 =	simm.s32 $execute0_lowered;
	[smem:$0x3FD2] =	sst s25  }
0xac: {  	s5 =	sshll.u32 s26, $0x1;
	_ =	strace $0x80000046;
	[dreg:$0x1] =	wrdreg $0xFFFFFFFF  }
0xad: {  	s28 =	simm.s32 $_size_execute0_lowered;
	s3 =	sadd.s32 s3, s5;
	[dreg:$0x0] =	wrdreg $0x0  }
0xae: {  	s5 =	sshll.u32 s28, $0x1;
	[dreg:$0x2] =	wrdreg s3  }
0xaf: {  	[dreg:$0x3] =	wrdreg s5  }
0xb0: {  	[dreg:$0x4] =	wrdreg $0xC0  }
0xb1: {  	_ =	task [dreg:s7], $0x5FFFF  }
0xb2: {  	[dreg:$0x1] =	wrdreg $0xFFFFFFFF  }
0xb3: {  	[dreg:$0x0] =	wrdreg $0x60  }
0xb4: {  	[dreg:$0x2] =	wrdreg s16  }
0xb5: {  	[dreg:$0x3] =	wrdreg s24  }
0xb6: {  	[dreg:$0x4] =	wrdreg $0x9  }
0xb7: {  	_ =	task.clear_ibuf [dreg:s7], $0x5FFFF;
	_ =	strace $0x90000046  }
0xb8: {  	s29 =	simm.s32 $0x9;
	_ =	strace $0x80000048  }
0xb9: {  	_ =	swait.ge [sflag:s29], $0x1  }
0xba: {  	[sflag:s29] =	ssyncadd.s32 $0xFFFFFFFF  }
0xbb: {  	_ =	strace $0x90000048  }
0xbc: {  	_ =	sfence  }
0xbd: {  	s30 =	sld [smem:$0x0];
	_ =	sdelay $0x2  }
0xbe: {  	s31 =	sshll.u32 s1, $0xD;
	s1 =	sshrl.u32 s1, $0x2  }
0xbf: {  	s3 =	sand.u32 $0x4000, s31;
	s1 =	sadd.s32 s1, s30  }
0xc0: {  	s0 =	sor.u32 s3, s0;
	s1 =	sshll.u32 s1, $0x11  }
0xc1: {  	s0 =	sor.u32 s1, s0  }
0xc2: {  	s0 =	sadd.s32 $0x8F2B, s0  }
0xc3: {  	[sflag:s0] =	ssyncadd.remote.s32 $0x1  }
0xc4: {  	_ =	sfence.sel $0xFFFF  }
0xc5: {  	[dreg:$0x0] =	wrdreg $0xFFFFFFFF;
	(pc) =	sbr.abs _section_cstart, $3  }
0xc6: {  	[dreg:$0x1] =	wrdreg $0xFFFFFFFF  }
0xc7: {  	_ =	task.clear_ibuf [dreg:s7], $0x2FFFF;
	_ =	strace $0x9FFFFFFF  }
0xc8: {  	(tm) =	ssettm $0x7FFFFFFF  }
0xc9: {  	_ =	shalt  }
tec
execute0_lowered:
.L_overlay_start_1:
0x0: {  	(tag) =	ssettag $0x1  }
0x1: {  	s1 =	srdreg.scid  }
0x2: {  	s0 =	stileid.u32;
	s3 =	rddreg [dreg:$0x0]  }
0x3: {  	s4 =	rddreg [dreg:$0x1];
	s30 =	simm.s32 $0x1;
	p0 =	por $0x0, $0x0  }
0x4: {  	s1 =	sand.u32 $0x1, s1;
	s2 =	sshll.u32 s0, $0x1;
	s9 =	sadd.s32 $0xA00, s4  }
0x5: {  	s5 =	sor.u32 s1, s2;
	s2 =	simm.s32 $0x0;
	s1 =	ssub.s32 $0x2, s1  }
0x6: {  	s6 =	smul.u32 $0x240, s5;
	[smem:$0x7FF] =	sst s2;
	s7 =	sshrl.u32 s1, $0x1  }
0x7: {  	s5 =	smul.u32 $0x2400, s5;
	_ =	strace $0x80000047;
	s1 =	ssub.s32 s1, s7  }
0x8: {  	s8 =	sshrl.u32 s6, $0x3;
	s14 =	sadd.s32 $0xC0, s6;
	s12 =	sadd.s32 $0x120, s6  }
0x9: {  	s16 =	sadd.s32 $0x180, s6;
	s17 =	sadd.s32 $0x1E0, s6;
	s1 =	smax.u32 s1, $0x1  }
0xa: {  	s26 =	sadd.s32 s4, s8;
	s8 =	sadd.s32 $0x60, s6;
	s11 =	sshrl.u32 s14, $0x3  }
0xb: {  	s15 =	sshrl.u32 s12, $0x3;
	s18 =	sshrl.u32 s16, $0x3;
	s13 =	sshrl.u32 s17, $0x3  }
0xc: {  	s20 =	sshll.u32 s14, $0x4;
	s21 =	sshll.u32 s12, $0x4;
	s22 =	sshll.u32 s16, $0x4  }
0xd: {  	s12 =	simm.s32 $0x3400;
	p1 =	sne.s32 s1, $0x1;
	s31 =	sadd.s32 $0xFFFFFFFF, s1  }
0xe: {  	s14 =	simm.s32 $0x9400;
	s16 =	simm.s32 $0xF400;
	[dreg:$0x3] =	wrdreg s26  }
0xf: {  	s10 =	sshrl.u32 s8, $0x3;
	s24 =	sadd.s32 s4, s11;
	s25 =	sadd.s32 s4, s15  }
0x10: {  	s28 =	sadd.s32 s4, s18;
	s29 =	sadd.s32 s4, s13;
	s19 =	sshll.u32 s8, $0x4  }
0x11: {  	s6 =	sadd.s32 s9, s20;
	s7 =	sadd.s32 s9, s21;
	s8 =	sadd.s32 s9, s22  }
0x12: {  	s26 =	sshll.u32 s17, $0x4;
	s18 =	simm.s32 $0x80;
	s20 =	simm.s32 $0x180  }
.Ltmp0:
0x13: {  	s21 =	simm.s32 $0x200;
	s22 =	simm.s32 $0x280;
	(pc) =	sbr.rel @!p1 .LBB2_3-.Ltmp0, $4  }
0x14: {  	s11 =	simm.s32 $0x400;
	s13 =	simm.s32 $0x6400;
	s15 =	simm.s32 $0xC400  }
0x15: {  	s17 =	simm.s32 $0x2;
	s23 =	sadd.s32 s4, s10;
	s4 =	sadd.s32 s9, s5  }
0x16: {  	s5 =	sadd.s32 s9, s19;
	s9 =	sadd.s32 s9, s26;
	s19 =	simm.s32 $0x100  }
0x17: {  	s26 =	simm.s32 $0x60;
	s10 =	simm.s32 $0x3;
	s1 =	rddreg [dreg:$0x3]  }
0x18: {  	[tilespmem:s2], [sflag:$0x1] =	stream.linear.gather [hbm4b:s1+s2], $0x60, $0x38;
	[tilespmem:$0x12400] =	vst v63  }
0x19: {  	_ = 	snop  }
0x1a: {  	[tilespmem:s18], [sflag:$0x1] =	stream.linear.gather [hbm4b:s23+s2], $0x60, $0x38;
	[tilespmem:$0x12400] =	vst v63  }
0x1b: {  	_ = 	snop  }
0x1c: {  	[tilespmem:s19], [sflag:$0x1] =	stream.linear.gather [hbm4b:s24+s2], $0x60, $0x38;
	[tilespmem:$0x12400] =	vst v63  }
0x1d: {  	_ = 	snop  }
0x1e: {  	[tilespmem:s20], [sflag:$0x1] =	stream.linear.gather [hbm4b:s25+s2], $0x60, $0x38;
	[tilespmem:$0x12400] =	vst v63  }
0x1f: {  	_ = 	snop  }
0x20: {  	[tilespmem:s21], [sflag:$0x1] =	stream.linear.gather [hbm4b:s28+s2], $0x60, $0x38;
	[tilespmem:$0x12400] =	vst v63  }
0x21: {  	_ = 	snop  }
0x22: {  	[tilespmem:s22], [sflag:$0x1] =	stream.linear.gather [hbm4b:s29+s2], $0x60, $0x38;
	[tilespmem:$0x12400] =	vst v63  }
0x23: {  	_ =	swait.ge [sflag:s30], $0x60  }
0x24: {  	[sflag:s30] =	ssyncset.done $0x0  }
0x25: {  	[sflag:s30] =	ssyncadd.s32 $0xFFFFFFA0  }
0x26: {  	_ =	swait.ge [sflag:s30], $0x60  }
0x27: {  	[sflag:s30] =	ssyncset.done $0x0  }
0x28: {  	[sflag:s30] =	ssyncadd.s32 $0xFFFFFFA0  }
0x29: {  	_ =	swait.ge [sflag:s30], $0x60  }
0x2a: {  	[sflag:s30] =	ssyncset.done $0x0  }
0x2b: {  	[sflag:s30] =	ssyncadd.s32 $0xFFFFFFA0  }
0x2c: {  	_ =	swait.ge [sflag:s30], $0x60  }
0x2d: {  	[sflag:s30] =	ssyncset.done $0x0  }
0x2e: {  	[sflag:s30] =	ssyncadd.s32 $0xFFFFFFA0  }
0x2f: {  	_ =	swait.ge [sflag:s30], $0x60  }
0x30: {  	[sflag:s30] =	ssyncset.done $0x0  }
0x31: {  	[sflag:s30] =	ssyncadd.s32 $0xFFFFFFA0  }
0x32: {  	_ =	swait.ge [sflag:s30], $0x60  }
0x33: {  	[sflag:s30] =	ssyncset.done $0x0  }
0x34: {  	[sflag:s30] =	ssyncadd.s32 $0xFFFFFFA0  }
0x35: {  	[tilespmem:s11], [sflag:$0x2] =	stream.indirect.gather [hbm4b:s3+s26], $0x80, s2, s26, $0xb8;
	[tilespmem:$0x12400] =	vst v63  }
0x36: {  	_ = 	snop  }
0x37: {  	[tilespmem:s12], [sflag:$0x2] =	stream.indirect.gather [hbm4b:s3+s26], $0x80, s18, s26, $0xb8;
	[tilespmem:$0x12400] =	vst v63  }
0x38: {  	_ = 	snop  }
0x39: {  	[tilespmem:s13], [sflag:$0x2] =	stream.indirect.gather [hbm4b:s3+s26], $0x80, s19, s26, $0xb8;
	[tilespmem:$0x12400] =	vst v63  }
0x3a: {  	_ = 	snop  }
0x3b: {  	[tilespmem:s14], [sflag:$0x2] =	stream.indirect.gather [hbm4b:s3+s26], $0x80, s20, s26, $0xb8;
	[tilespmem:$0x12400] =	vst v63  }
0x3c: {  	_ = 	snop  }
0x3d: {  	[tilespmem:s15], [sflag:$0x2] =	stream.indirect.gather [hbm4b:s3+s26], $0x80, s21, s26, $0xb8;
	[tilespmem:$0x12400] =	vst v63  }
0x3e: {  	_ = 	snop  }
0x3f: {  	[tilespmem:s16], [sflag:$0x2] =	stream.indirect.gather [hbm4b:s3+s26], $0x80, s22, s26, $0xb8;
	[tilespmem:$0x12400] =	vst v63  }
0x40: {  	_ =	swait.ge [sflag:s17], $0x3000  }
0x41: {  	[sflag:s17] =	ssyncset.done $0x0  }
0x42: {  	[sflag:s17] =	ssyncadd.s32 $0xFFFFD000  }
0x43: {  	_ =	swait.ge [sflag:s17], $0x3000  }
0x44: {  	[sflag:s17] =	ssyncset.done $0x0  }
0x45: {  	[sflag:s17] =	ssyncadd.s32 $0xFFFFD000  }
0x46: {  	_ =	swait.ge [sflag:s17], $0x3000  }
0x47: {  	[sflag:s17] =	ssyncset.done $0x0  }
0x48: {  	[sflag:s17] =	ssyncadd.s32 $0xFFFFD000  }
0x49: {  	_ =	swait.ge [sflag:s17], $0x3000  }
0x4a: {  	[sflag:s17] =	ssyncset.done $0x0  }
0x4b: {  	[sflag:s17] =	ssyncadd.s32 $0xFFFFD000  }
0x4c: {  	_ =	swait.ge [sflag:s17], $0x3000  }
0x4d: {  	[sflag:s17] =	ssyncset.done $0x0  }
0x4e: {  	[sflag:s17] =	ssyncadd.s32 $0xFFFFD000  }
0x4f: {  	_ =	swait.ge [sflag:s17], $0x3000  }
0x50: {  	[sflag:s17] =	ssyncset.done $0x0  }
0x51: {  	[sflag:s17] =	ssyncadd.s32 $0xFFFFD000  }
0x52: {  	[hbm4b:s4+s2] =	stream.linear.scatter [tilespmem:s11], [sflag:$0x3], $0x3000, $0x38;
	[tilespmem:$0x12400] =	vst v63  }
0x53: {  	_ = 	snop  }
0x54: {  	[hbm4b:s5+s2] =	stream.linear.scatter [tilespmem:s12], [sflag:$0x3], $0x3000, $0x38;
	[tilespmem:$0x12400] =	vst v63  }
0x55: {  	_ = 	snop  }
0x56: {  	[hbm4b:s6+s2] =	stream.linear.scatter [tilespmem:s13], [sflag:$0x3], $0x3000, $0x38;
	[tilespmem:$0x12400] =	vst v63  }
0x57: {  	_ = 	snop  }
0x58: {  	[hbm4b:s7+s2] =	stream.linear.scatter [tilespmem:s14], [sflag:$0x3], $0x3000, $0x38;
	[tilespmem:$0x12400] =	vst v63  }
0x59: {  	_ = 	snop  }
0x5a: {  	[hbm4b:s8+s2] =	stream.linear.scatter [tilespmem:s15], [sflag:$0x3], $0x3000, $0x38;
	[tilespmem:$0x12400] =	vst v63  }
0x5b: {  	_ = 	snop  }
0x5c: {  	[hbm4b:s9+s2] =	stream.linear.scatter [tilespmem:s16], [sflag:$0x3], $0x3000, $0x38;
	[tilespmem:$0x12400] =	vst v63  }
0x5d: {  	_ =	swait.ge [sflag:s10], $0x3000  }
0x5e: {  	[sflag:s10] =	ssyncset.done $0x0  }
0x5f: {  	[sflag:s10] =	ssyncadd.s32 $0xFFFFD000  }
0x60: {  	_ =	swait.ge [sflag:s10], $0x3000  }
0x61: {  	[sflag:s10] =	ssyncset.done $0x0  }
0x62: {  	[sflag:s10] =	ssyncadd.s32 $0xFFFFD000  }
0x63: {  	_ =	swait.ge [sflag:s10], $0x3000  }
0x64: {  	[sflag:s10] =	ssyncset.done $0x0  }
0x65: {  	[sflag:s10] =	ssyncadd.s32 $0xFFFFD000  }
0x66: {  	_ =	swait.ge [sflag:s10], $0x3000  }
0x67: {  	[sflag:s10] =	ssyncset.done $0x0  }
0x68: {  	p1 =	sne.s32 s31, $0x1;
	[sflag:s10] =	ssyncadd.s32 $0xFFFFD000  }
.Ltmp1:
0x69: {  	_ =	swait.ge [sflag:s10], $0x3000;
	(pc) =	sbr.rel @!p1 .LBB2_3-.Ltmp1, $4  }
0x6a: {  	[sflag:s10] =	ssyncset.done $0x0  }
0x6b: {  	[sflag:s10] =	ssyncadd.s32 $0xFFFFD000  }
0x6c: {  	s31 =	sadd.s32 $0xFFFFFFFF, s31;
	_ =	swait.ge [sflag:s10], $0x3000  }
0x6d: {  	p0 =	por $0x1, $0x1;
	s1 =	rddreg [dreg:$0x3];
	[sflag:s10] =	ssyncset.done $0x0  }
.LBB2_2:
0x6e: {  	[sflag:s10] =	ssyncadd.s32 $0xFFFFD000  }
0x6f: {  	[tilespmem:s2], [sflag:$0x1] =	stream.linear.gather [hbm4b:s1+s2], $0x60, $0x38;
	[tilespmem:$0x12400] =	vst v63  }
0x70: {  	_ = 	snop  }
0x71: {  	[tilespmem:s18], [sflag:$0x1] =	stream.linear.gather [hbm4b:s23+s2], $0x60, $0x38;
	[tilespmem:$0x12400] =	vst v63  }
0x72: {  	_ = 	snop  }
0x73: {  	[tilespmem:s19], [sflag:$0x1] =	stream.linear.gather [hbm4b:s24+s2], $0x60, $0x38;
	[tilespmem:$0x12400] =	vst v63  }
0x74: {  	_ = 	snop  }
0x75: {  	[tilespmem:s20], [sflag:$0x1] =	stream.linear.gather [hbm4b:s25+s2], $0x60, $0x38;
	[tilespmem:$0x12400] =	vst v63  }
0x76: {  	_ = 	snop  }
0x77: {  	[tilespmem:s21], [sflag:$0x1] =	stream.linear.gather [hbm4b:s28+s2], $0x60, $0x38;
	[tilespmem:$0x12400] =	vst v63  }
0x78: {  	_ = 	snop  }
0x79: {  	[tilespmem:s22], [sflag:$0x1] =	stream.linear.gather [hbm4b:s29+s2], $0x60, $0x38;
	[tilespmem:$0x12400] =	vst v63  }
0x7a: {  	_ =	swait.ge [sflag:s30], $0x60  }
0x7b: {  	[sflag:s30] =	ssyncset.done $0x0  }
0x7c: {  	[sflag:s30] =	ssyncadd.s32 $0xFFFFFFA0  }
0x7d: {  	_ =	swait.ge [sflag:s30], $0x60  }
0x7e: {  	[sflag:s30] =	ssyncset.done $0x0  }
0x7f: {  	[sflag:s30] =	ssyncadd.s32 $0xFFFFFFA0  }
0x80: {  	_ =	swait.ge [sflag:s30], $0x60  }
0x81: {  	[sflag:s30] =	ssyncset.done $0x0  }
0x82: {  	[sflag:s30] =	ssyncadd.s32 $0xFFFFFFA0  }
0x83: {  	_ =	swait.ge [sflag:s30], $0x60  }
0x84: {  	[sflag:s30] =	ssyncset.done $0x0  }
0x85: {  	[sflag:s30] =	ssyncadd.s32 $0xFFFFFFA0  }
0x86: {  	_ =	swait.ge [sflag:s30], $0x60  }
0x87: {  	[sflag:s30] =	ssyncset.done $0x0  }
0x88: {  	[sflag:s30] =	ssyncadd.s32 $0xFFFFFFA0  }
0x89: {  	_ =	swait.ge [sflag:s30], $0x60  }
0x8a: {  	[sflag:s30] =	ssyncset.done $0x0  }
0x8b: {  	[sflag:s30] =	ssyncadd.s32 $0xFFFFFFA0  }
0x8c: {  	[tilespmem:s11], [sflag:$0x2] =	stream.indirect.gather [hbm4b:s3+s26], $0x80, s2, s26, $0xb8;
	[tilespmem:$0x12400] =	vst v63  }
0x8d: {  	_ = 	snop  }
0x8e: {  	[tilespmem:s12], [sflag:$0x2] =	stream.indirect.gather [hbm4b:s3+s26], $0x80, s18, s26, $0xb8;
	[tilespmem:$0x12400] =	vst v63  }
0x8f: {  	_ = 	snop  }
0x90: {  	[tilespmem:s13], [sflag:$0x2] =	stream.indirect.gather [hbm4b:s3+s26], $0x80, s19, s26, $0xb8;
	[tilespmem:$0x12400] =	vst v63  }
0x91: {  	_ = 	snop  }
0x92: {  	[tilespmem:s14], [sflag:$0x2] =	stream.indirect.gather [hbm4b:s3+s26], $0x80, s20, s26, $0xb8;
	[tilespmem:$0x12400] =	vst v63  }
0x93: {  	_ = 	snop  }
0x94: {  	[tilespmem:s15], [sflag:$0x2] =	stream.indirect.gather [hbm4b:s3+s26], $0x80, s21, s26, $0xb8;
	[tilespmem:$0x12400] =	vst v63  }
0x95: {  	_ = 	snop  }
0x96: {  	[tilespmem:s16], [sflag:$0x2] =	stream.indirect.gather [hbm4b:s3+s26], $0x80, s22, s26, $0xb8;
	[tilespmem:$0x12400] =	vst v63  }
0x97: {  	_ =	swait.ge [sflag:s17], $0x3000  }
0x98: {  	[sflag:s17] =	ssyncset.done $0x0  }
0x99: {  	[sflag:s17] =	ssyncadd.s32 $0xFFFFD000  }
0x9a: {  	_ =	swait.ge [sflag:s17], $0x3000  }
0x9b: {  	[sflag:s17] =	ssyncset.done $0x0  }
0x9c: {  	[sflag:s17] =	ssyncadd.s32 $0xFFFFD000  }
0x9d: {  	_ =	swait.ge [sflag:s17], $0x3000  }
0x9e: {  	[sflag:s17] =	ssyncset.done $0x0  }
0x9f: {  	[sflag:s17] =	ssyncadd.s32 $0xFFFFD000  }
0xa0: {  	_ =	swait.ge [sflag:s17], $0x3000  }
0xa1: {  	[sflag:s17] =	ssyncset.done $0x0  }
0xa2: {  	[sflag:s17] =	ssyncadd.s32 $0xFFFFD000  }
0xa3: {  	_ =	swait.ge [sflag:s17], $0x3000  }
0xa4: {  	[sflag:s17] =	ssyncset.done $0x0  }
0xa5: {  	[sflag:s17] =	ssyncadd.s32 $0xFFFFD000  }
0xa6: {  	_ =	swait.ge [sflag:s17], $0x3000  }
0xa7: {  	[sflag:s17] =	ssyncset.done $0x0  }
0xa8: {  	[sflag:s17] =	ssyncadd.s32 $0xFFFFD000  }
0xa9: {  	[hbm4b:s4+s2] =	stream.linear.scatter [tilespmem:s11], [sflag:$0x3], $0x3000, $0x38;
	[tilespmem:$0x12400] =	vst v63  }
0xaa: {  	_ = 	snop  }
0xab: {  	[hbm4b:s5+s2] =	stream.linear.scatter [tilespmem:s12], [sflag:$0x3], $0x3000, $0x38;
	[tilespmem:$0x12400] =	vst v63  }
0xac: {  	_ = 	snop  }
0xad: {  	[hbm4b:s6+s2] =	stream.linear.scatter [tilespmem:s13], [sflag:$0x3], $0x3000, $0x38;
	[tilespmem:$0x12400] =	vst v63  }
0xae: {  	_ = 	snop  }
0xaf: {  	[hbm4b:s7+s2] =	stream.linear.scatter [tilespmem:s14], [sflag:$0x3], $0x3000, $0x38;
	[tilespmem:$0x12400] =	vst v63  }
0xb0: {  	_ = 	snop  }
0xb1: {  	[hbm4b:s8+s2] =	stream.linear.scatter [tilespmem:s15], [sflag:$0x3], $0x3000, $0x38;
	[tilespmem:$0x12400] =	vst v63  }
0xb2: {  	_ = 	snop  }
0xb3: {  	[hbm4b:s9+s2] =	stream.linear.scatter [tilespmem:s16], [sflag:$0x3], $0x3000, $0x38;
	[tilespmem:$0x12400] =	vst v63  }
0xb4: {  	_ =	swait.ge [sflag:s10], $0x3000  }
0xb5: {  	[sflag:s10] =	ssyncset.done $0x0  }
0xb6: {  	[sflag:s10] =	ssyncadd.s32 $0xFFFFD000  }
0xb7: {  	_ =	swait.ge [sflag:s10], $0x3000  }
0xb8: {  	[sflag:s10] =	ssyncset.done $0x0  }
0xb9: {  	[sflag:s10] =	ssyncadd.s32 $0xFFFFD000  }
0xba: {  	_ =	swait.ge [sflag:s10], $0x3000  }
0xbb: {  	[sflag:s10] =	ssyncset.done $0x0  }
0xbc: {  	[sflag:s10] =	ssyncadd.s32 $0xFFFFD000  }
0xbd: {  	_ =	swait.ge [sflag:s10], $0x3000  }
0xbe: {  	[sflag:s10] =	ssyncset.done $0x0  }
0xbf: {  	p1 =	sne.s32 s31, $0x1;
	[sflag:s10] =	ssyncadd.s32 $0xFFFFD000  }
.Ltmp2:
0xc0: {  	_ =	swait.ge [sflag:s10], $0x3000;
	(pc) =	sbr.rel @p1 .LBB2_2-.Ltmp2, $4  }
0xc1: {  	[sflag:s10] =	ssyncset.done $0x0  }
0xc2: {  	[sflag:s10] =	ssyncadd.s32 $0xFFFFD000  }
0xc3: {  	_ =	swait.ge [sflag:s10], $0x3000  }
0xc4: {  	s31 =	sadd.s32 $0xFFFFFFFF, s31;
	s1 =	rddreg [dreg:$0x3];
	[sflag:s10] =	ssyncset.done $0x0  }
.LBB2_3:
0xc5: {  	[sflag:s10] =	ssyncadd.s32 @p0 $0xFFFFD000  }
0xc6: {  	[tilespmem:s2], [sflag:$0x1] =	stream.linear.gather [hbm4b:s1+s2], $0x60, $0x38;
	[tilespmem:$0x12400] =	vst v63  }
0xc7: {  	_ = 	snop  }
0xc8: {  	[tilespmem:s18], [sflag:$0x1] =	stream.linear.gather [hbm4b:s23+s2], $0x60, $0x38;
	[tilespmem:$0x12400] =	vst v63  }
0xc9: {  	_ = 	snop  }
0xca: {  	[tilespmem:s19], [sflag:$0x1] =	stream.linear.gather [hbm4b:s24+s2], $0x60, $0x38;
	[tilespmem:$0x12400] =	vst v63  }
0xcb: {  	_ = 	snop  }
0xcc: {  	[tilespmem:s20], [sflag:$0x1] =	stream.linear.gather [hbm4b:s25+s2], $0x60, $0x38;
	[tilespmem:$0x12400] =	vst v63  }
0xcd: {  	_ = 	snop  }
0xce: {  	[tilespmem:s21], [sflag:$0x1] =	stream.linear.gather [hbm4b:s28+s2], $0x60, $0x38;
	[tilespmem:$0x12400] =	vst v63  }
0xcf: {  	_ = 	snop  }
0xd0: {  	[tilespmem:s22], [sflag:$0x1] =	stream.linear.gather [hbm4b:s29+s2], $0x60, $0x38;
	[tilespmem:$0x12400] =	vst v63  }
0xd1: {  	_ =	swait.ge [sflag:s30], $0x60  }
0xd2: {  	[sflag:s30] =	ssyncset.done $0x0  }
0xd3: {  	[sflag:s30] =	ssyncadd.s32 $0xFFFFFFA0  }
0xd4: {  	_ =	swait.ge [sflag:s30], $0x60  }
0xd5: {  	[sflag:s30] =	ssyncset.done $0x0  }
0xd6: {  	[sflag:s30] =	ssyncadd.s32 $0xFFFFFFA0  }
0xd7: {  	_ =	swait.ge [sflag:s30], $0x60  }
0xd8: {  	[sflag:s30] =	ssyncset.done $0x0  }
0xd9: {  	[sflag:s30] =	ssyncadd.s32 $0xFFFFFFA0  }
0xda: {  	_ =	swait.ge [sflag:s30], $0x60  }
0xdb: {  	[sflag:s30] =	ssyncset.done $0x0  }
0xdc: {  	[sflag:s30] =	ssyncadd.s32 $0xFFFFFFA0  }
0xdd: {  	_ =	swait.ge [sflag:s30], $0x60  }
0xde: {  	[sflag:s30] =	ssyncset.done $0x0  }
0xdf: {  	[sflag:s30] =	ssyncadd.s32 $0xFFFFFFA0  }
0xe0: {  	_ =	swait.ge [sflag:s30], $0x60  }
0xe1: {  	[sflag:s30] =	ssyncset.done $0x0  }
0xe2: {  	[sflag:s30] =	ssyncadd.s32 $0xFFFFFFA0  }
0xe3: {  	[tilespmem:s11], [sflag:$0x2] =	stream.indirect.gather [hbm4b:s3+s26], $0x80, s2, s26, $0xb8;
	[tilespmem:$0x12400] =	vst v63  }
0xe4: {  	_ = 	snop  }
0xe5: {  	[tilespmem:s12], [sflag:$0x2] =	stream.indirect.gather [hbm4b:s3+s26], $0x80, s18, s26, $0xb8;
	[tilespmem:$0x12400] =	vst v63  }
0xe6: {  	_ = 	snop  }
0xe7: {  	[tilespmem:s13], [sflag:$0x2] =	stream.indirect.gather [hbm4b:s3+s26], $0x80, s19, s26, $0xb8;
	[tilespmem:$0x12400] =	vst v63  }
0xe8: {  	_ = 	snop  }
0xe9: {  	[tilespmem:s14], [sflag:$0x2] =	stream.indirect.gather [hbm4b:s3+s26], $0x80, s20, s26, $0xb8;
	[tilespmem:$0x12400] =	vst v63  }
0xea: {  	_ = 	snop  }
0xeb: {  	[tilespmem:s15], [sflag:$0x2] =	stream.indirect.gather [hbm4b:s3+s26], $0x80, s21, s26, $0xb8;
	[tilespmem:$0x12400] =	vst v63  }
0xec: {  	_ = 	snop  }
0xed: {  	[tilespmem:s16], [sflag:$0x2] =	stream.indirect.gather [hbm4b:s3+s26], $0x80, s22, s26, $0xb8;
	[tilespmem:$0x12400] =	vst v63  }
0xee: {  	_ =	swait.ge [sflag:s17], $0x3000  }
0xef: {  	[sflag:s17] =	ssyncset.done $0x0  }
0xf0: {  	[sflag:s17] =	ssyncadd.s32 $0xFFFFD000  }
0xf1: {  	_ =	swait.ge [sflag:s17], $0x3000  }
0xf2: {  	[sflag:s17] =	ssyncset.done $0x0  }
0xf3: {  	[sflag:s17] =	ssyncadd.s32 $0xFFFFD000  }
0xf4: {  	_ =	swait.ge [sflag:s17], $0x3000  }
0xf5: {  	[sflag:s17] =	ssyncset.done $0x0  }
0xf6: {  	[sflag:s17] =	ssyncadd.s32 $0xFFFFD000  }
0xf7: {  	_ =	swait.ge [sflag:s17], $0x3000  }
0xf8: {  	[sflag:s17] =	ssyncset.done $0x0  }
0xf9: {  	[sflag:s17] =	ssyncadd.s32 $0xFFFFD000  }
0xfa: {  	_ =	swait.ge [sflag:s17], $0x3000  }
0xfb: {  	[sflag:s17] =	ssyncset.done $0x0  }
0xfc: {  	[sflag:s17] =	ssyncadd.s32 $0xFFFFD000  }
0xfd: {  	_ =	swait.ge [sflag:s17], $0x3000  }
0xfe: {  	[sflag:s17] =	ssyncset.done $0x0  }
0xff: {  	[sflag:s17] =	ssyncadd.s32 $0xFFFFD000  }
0x100: {  	[hbm4b:s4+s2] =	stream.linear.scatter [tilespmem:s11], [sflag:$0x3], $0x3000, $0x38;
	[tilespmem:$0x12400] =	vst v63  }
0x101: {  	_ = 	snop  }
0x102: {  	[hbm4b:s5+s2] =	stream.linear.scatter [tilespmem:s12], [sflag:$0x3], $0x3000, $0x38;
	[tilespmem:$0x12400] =	vst v63  }
0x103: {  	_ = 	snop  }
0x104: {  	[hbm4b:s6+s2] =	stream.linear.scatter [tilespmem:s13], [sflag:$0x3], $0x3000, $0x38;
	[tilespmem:$0x12400] =	vst v63  }
0x105: {  	_ = 	snop  }
0x106: {  	[hbm4b:s7+s2] =	stream.linear.scatter [tilespmem:s14], [sflag:$0x3], $0x3000, $0x38;
	[tilespmem:$0x12400] =	vst v63  }
0x107: {  	_ = 	snop  }
0x108: {  	[hbm4b:s8+s2] =	stream.linear.scatter [tilespmem:s15], [sflag:$0x3], $0x3000, $0x38;
	[tilespmem:$0x12400] =	vst v63  }
0x109: {  	_ = 	snop  }
0x10a: {  	[hbm4b:s9+s2] =	stream.linear.scatter [tilespmem:s16], [sflag:$0x3], $0x3000, $0x38;
	[tilespmem:$0x12400] =	vst v63  }
0x10b: {  	_ =	swait.ge [sflag:s10], $0x3000  }
0x10c: {  	[sflag:s10] =	ssyncset.done $0x0  }
0x10d: {  	[sflag:s10] =	ssyncadd.s32 $0xFFFFD000  }
0x10e: {  	_ =	swait.ge [sflag:s10], $0x3000  }
0x10f: {  	[sflag:s10] =	ssyncset.done $0x0  }
0x110: {  	[sflag:s10] =	ssyncadd.s32 $0xFFFFD000  }
0x111: {  	_ =	swait.ge [sflag:s10], $0x3000  }
0x112: {  	[sflag:s10] =	ssyncset.done $0x0  }
0x113: {  	[sflag:s10] =	ssyncadd.s32 $0xFFFFD000  }
0x114: {  	_ =	swait.ge [sflag:s10], $0x3000  }
0x115: {  	[sflag:s10] =	ssyncset.done $0x0  }
0x116: {  	[sflag:s10] =	ssyncadd.s32 $0xFFFFD000  }
0x117: {  	_ =	swait.ge [sflag:s10], $0x3000  }
0x118: {  	[sflag:s10] =	ssyncset.done $0x0  }
0x119: {  	[sflag:s10] =	ssyncadd.s32 $0xFFFFD000  }
0x11a: {  	_ =	swait.ge [sflag:s10], $0x3000  }
0x11b: {  	[sflag:s10] =	ssyncset.done $0x0  }
0x11c: {  	[sflag:s10] =	ssyncadd.s32 $0xFFFFD000  }
0x11d: {  	_ =	sfence.sel $0x180000  }
0x11e: {  	[bflag:$0x0] =	sbarrier.arrive $0xFFFF  }
0x11f: {  	_ =	strace $0x90000047  }
0x120: {  	[bflag:$0x2] =	sbarrier.arrive $0xFFFF  }
0x121: {  	p0 =	sne.s32 s0, $0x0;
	s0 =	rddreg [dreg:$0x2]  }
0x122: {  	s0 =	sadd.s32 @!p0 $0x100000, s0  }
0x123: {  	[sflag:s0] =	ssyncadd.tile.s32 @!p0 $0x1;
	_ =	shalt  }
.Lfunc_end2:
_tile_overlayer_lowered:
.L_overlay_start_2:
0x124: {  	(tag) =	ssettag $0x2  }
0x125: {  	s0 =	rddreg [dreg:$0x0];
	s2 =	stileid.u32  }
0x126: {  	s1 =	rddreg [dreg:$0x1];
	p0 =	sne.s32 s2, $0x0  }
0x127: {  	s3 =	rddreg [dreg:$0x2];
	[bflag:$0x3] =	sbarrier.arrive $0xFFFF;
	s2 =	simm.s32 @!p0 $0x1C04  }
0x128: {  	[timem:s3], [sflag:s2] =	dma.local @!p0 [hbm:s0], s1  }
0x129: {  	s0 =	simm.s32 @!p0 $0x4  }
0x12a: {  	_ =	swait.ge @!p0 [sflag:s0], s1  }
0x12b: {  	s1 =	ssub.s32 @!p0 $0x0, s1;
	[sflag:s0] =	ssyncset.done @!p0 $0x0  }
0x12c: {  	[sflag:s0] =	ssyncadd.s32 @!p0 s1  }
0x12d: {  	[bflag:$0x3] =	sbarrier.arrive $0xFFFF  }
0x12e: {  	_ =	shalt  }

</sc_bundles>
